<compile_context>
chip_gen: v7x
topology: tpu7x:2x2x1
jax: 0.10.2.dev20260603
libtpu: 0.0.44.dev20260713+nightly
codegen_flags: <defaults>
</compile_context>

<pallas_src>
import functools

import jax
import jax.numpy as jnp
from jax import lax
from jax.experimental import pallas as pl
from jax.experimental.pallas import tpu as pltpu
from jax.experimental.pallas import tpu_sc as plsc

N = 10000
E = 320000
D = 128
HID = 64
HEADS1 = 2
OUT = 64
NEG = 0.2
EPS = 1e-16

BLK = 400
NCORE = 2
NSUB = 16
NTILE = NCORE * NSUB
EPT = E // NTILE
CB = 80
NP = 10240
NODES_PT = NP // NSUB


def _nodes1_body(x_ref, w_ref, xs_ref, ad_ref):
    y = jnp.dot(x_ref[...], w_ref[...], preferred_element_type=jnp.float32)
    z14 = jnp.zeros((BLK, 14), jnp.float32)
    xs_ref[...] = jnp.concatenate([y[:, : D + HEADS1], z14], axis=1)
    ad_ref[...] = jnp.concatenate([y[:, D + HEADS1 : D + 2 * HEADS1], z14], axis=1)


def _nodes1(x, wcat):
    return pl.pallas_call(
        _nodes1_body,
        grid=(N // BLK,),
        in_specs=[
            pl.BlockSpec((BLK, D), lambda i: (i, 0)),
            pl.BlockSpec((D, D + 2 * HEADS1), lambda i: (0, 0)),
        ],
        out_specs=[
            pl.BlockSpec((BLK, D + 16), lambda i: (i, 0)),
            pl.BlockSpec((BLK, 16), lambda i: (i, 0)),
        ],
        out_shape=[
            jax.ShapeDtypeStruct((N, D + 16), jnp.float32),
            jax.ShapeDtypeStruct((N, 16), jnp.float32),
        ],
    )(x, wcat)


def _nodes2_body(a0_ref, a1_ref, b1_ref, w_ref, xs_ref, ad_ref):
    a = a0_ref[0] + a1_ref[0]
    msg = a[:, :D]
    den = a[:, D : D + HEADS1]
    denb = jnp.broadcast_to(den[:, :, None], (BLK, HEADS1, HID)).reshape(BLK, D)
    h = jnp.maximum(msg / (denb + EPS) + b1_ref[...], 0.0)
    y = jnp.dot(h, w_ref[...], preferred_element_type=jnp.float32)
    z15 = jnp.zeros((BLK, 15), jnp.float32)
    xs_ref[...] = jnp.concatenate([y[:, : OUT + 1], z15], axis=1)
    ad_ref[...] = jnp.concatenate([y[:, OUT + 1 : OUT + 2], z15], axis=1)


def _nodes2(acc, b1, wcat2):
    return pl.pallas_call(
        _nodes2_body,
        grid=(N // BLK,),
        in_specs=[
            pl.BlockSpec((1, BLK, D + 16), lambda i: (0, i, 0)),
            pl.BlockSpec((1, BLK, D + 16), lambda i: (0, i, 0)),
            pl.BlockSpec((1, D), lambda i: (0, 0)),
            pl.BlockSpec((D, OUT + 2), lambda i: (0, 0)),
        ],
        out_specs=[
            pl.BlockSpec((BLK, OUT + 16), lambda i: (i, 0)),
            pl.BlockSpec((BLK, 16), lambda i: (i, 0)),
        ],
        out_shape=[
            jax.ShapeDtypeStruct((N, OUT + 16), jnp.float32),
            jax.ShapeDtypeStruct((N, 16), jnp.float32),
        ],
    )(acc[0:1], acc[1:2], b1.reshape(1, D), wcat2)


def _nodes3_body(a0_ref, a1_ref, b2_ref, o_ref):
    a = a0_ref[0] + a1_ref[0]
    o_ref[...] = a[:, :OUT] / (a[:, OUT : OUT + 1] + EPS) + b2_ref[...]


def _nodes3(acc2, b2):
    return pl.pallas_call(
        _nodes3_body,
        grid=(N // BLK,),
        in_specs=[
            pl.BlockSpec((1, BLK, OUT + 16), lambda i: (0, i, 0)),
            pl.BlockSpec((1, BLK, OUT + 16), lambda i: (0, i, 0)),
            pl.BlockSpec((1, OUT), lambda i: (0, 0)),
        ],
        out_specs=pl.BlockSpec((BLK, OUT), lambda i: (i, 0)),
        out_shape=jax.ShapeDtypeStruct((N, OUT), jnp.float32),
    )(acc2[0:1], acc2[1:2], b2.reshape(1, OUT))


def _make_edge_pass(heads, ch, tw):
    hc = heads * ch
    nchunk = EPT // CB
    mesh = plsc.VectorSubcoreMesh(core_axis_name="c", subcore_axis_name="s")

    @functools.partial(
        pl.kernel,
        mesh=mesh,
        compiler_params=pltpu.CompilerParams(use_tc_tiling_on_sc=False),
        out_type=jax.ShapeDtypeStruct((2 * NP, tw), jnp.float32),
        scratch_types=[
            pltpu.VMEM((CB,), jnp.int32),
            pltpu.VMEM((CB,), jnp.int32),
            pltpu.VMEM((CB,), jnp.int32),
            pltpu.VMEM((CB,), jnp.int32),
            pltpu.VMEM((CB, tw), jnp.float32),
            pltpu.VMEM((CB, tw), jnp.float32),
            pltpu.VMEM((CB, 16), jnp.float32),
            pltpu.VMEM((CB, 16), jnp.float32),
            pltpu.VMEM_SHARED((NP, tw), jnp.float32),
            pltpu.SemaphoreType.DMA,
            pltpu.SemaphoreType.DMA,
            pltpu.SemaphoreType.DMA,
            pltpu.SemaphoreType.DMA,
        ],
    )
    def edge_pass(table_hbm, adst_hbm, src2_hbm, dst2_hbm, zeros_hbm, out_hbm,
                  sidx0, didx0, sidx1, didx1, rows0, rows1, adv0, adv1, acc,
                  sg0, sa0, sg1, sa1):
        c = lax.axis_index("c")
        s = lax.axis_index("s")
        nbase = s * NODES_PT
        pltpu.sync_copy(zeros_hbm.at[pl.ds(nbase, NODES_PT)],
                        acc.at[pl.ds(nbase, NODES_PT)])
        plsc.subcore_barrier()

        crow = (c * NSUB + s) * nchunk

        def start(k, sidx, didx, rows, adv, sg, sa):
            pltpu.sync_copy(src2_hbm.at[k + crow], sidx)
            pltpu.sync_copy(dst2_hbm.at[k + crow], didx)
            pltpu.async_copy(table_hbm.at[sidx], rows, sg)
            pltpu.async_copy(adst_hbm.at[didx], adv, sa)

        def finish(k, sidx, didx, rows, adv, sg, sa):
            pltpu.make_async_copy(table_hbm.at[sidx], rows, sg).wait()
            pltpu.make_async_copy(adst_hbm.at[didx], adv, sa).wait()

        def compute(k, didx, rows, adv):
            def edge(e, carry2):
                va = rows[e, pl.ds(hc, 16)]
                vb = adv[e, pl.ds(0, 16)]
                al = va + vb
                ex_v = jnp.exp(jnp.maximum(al, al * NEG))
                lane = lax.iota(jnp.int32, 16)
                rows[e, pl.ds(hc, 16)] = jnp.where(lane < heads, ex_v, 0.0)
                for h in range(heads):
                    sph = ex_v.at[jnp.full((16,), h, jnp.int32)].get(
                        mode="promise_in_bounds")
                    for kk in range(ch // 16):
                        col = h * ch + kk * 16
                        rows[e, pl.ds(col, 16)] = rows[e, pl.ds(col, 16)] * sph
                return carry2

            lax.fori_loop(0, CB, edge, 0)
            pltpu.sync_copy(rows, acc.at[didx], add=True)

        start(0, sidx0, didx0, rows0, adv0, sg0, sa0)

        def pair(i, carry):
            a = 2 * i
            start(a + 1, sidx1, didx1, rows1, adv1, sg1, sa1)
            finish(a, sidx0, didx0, rows0, adv0, sg0, sa0)
            compute(a, didx0, rows0, adv0)
            start(a + 2, sidx0, didx0, rows0, adv0, sg0, sa0)
            finish(a + 1, sidx1, didx1, rows1, adv1, sg1, sa1)
            compute(a + 1, didx1, rows1, adv1)
            return carry

        lax.fori_loop(0, (nchunk - 1) // 2, pair, 0)
        finish(nchunk - 1, sidx0, didx0, rows0, adv0, sg0, sa0)
        compute(nchunk - 1, didx0, rows0, adv0)

        plsc.subcore_barrier()
        pltpu.sync_copy(acc.at[pl.ds(nbase, NODES_PT)],
                        out_hbm.at[pl.ds(c * NP + nbase, NODES_PT)])

    return edge_pass


_edge_pass_l1 = _make_edge_pass(HEADS1, HID, D + 16)
_edge_pass_l2 = _make_edge_pass(1, OUT, OUT + 16)


def kernel(x, edge_index, Ws1, Wd1, as1, ad1, b1, Ws2, Wd2, as2, ad2, b2):
    wsa1 = (Ws1.reshape(D, HEADS1, HID) * as1[None]).sum(-1)
    wda1 = (Wd1.reshape(D, HEADS1, HID) * ad1[None]).sum(-1)
    wcat1 = jnp.concatenate([Ws1, wsa1, wda1], axis=1)
    wsa2 = (Ws2.reshape(D, 1, OUT) * as2[None]).sum(-1)
    wda2 = (Wd2.reshape(D, 1, OUT) * ad2[None]).sum(-1)
    wcat2 = jnp.concatenate([Ws2, wsa2, wda2], axis=1)

    src = edge_index[0].reshape(E // CB, CB)
    dst = edge_index[1].reshape(E // CB, CB)
    z1 = jnp.zeros((NP, D + 16), jnp.float32)
    z2 = jnp.zeros((NP, OUT + 16), jnp.float32)

    xs1, adt1 = _nodes1(x, wcat1)
    acc1 = _edge_pass_l1(xs1, adt1, src, dst, z1).reshape(2, NP, D + 16)[:, :N]
    xs2, adt2 = _nodes2(acc1, b1, wcat2)
    acc2 = _edge_pass_l2(xs2, adt2, src, dst, z2).reshape(2, NP, OUT + 16)[:, :N]
    return _nodes3(acc2, b2)

# --- scband reference (transcript-rebuilt; emitter-appended) ---
"""Pipeline reference for scband-gat-gnn-21363167330510 (READ-ONLY COPY).

The authoritative reference and input builder live on the scoring server;
editing this copy changes nothing except your own understanding.
"""

import jax, jax.numpy as jnp
import numpy as np

N = 10000
E = 320000
D = 128
HID = 64
HEADS1 = 2
OUT = 64
NEG_SLOPE = 0.2


def setup_inputs(seed: int = 0) -> dict:
    key = jax.random.key(seed)
    ks = jax.random.split(key, 12)
    x = jax.random.normal(ks[0], (N, D), dtype=jnp.float32)
    edge_index = jax.random.randint(ks[1], (2, E), 0, N, dtype=jnp.int32)
    s1 = 1.0 / np.sqrt(D)
    Ws1 = jax.random.normal(ks[2], (D, HEADS1 * HID), dtype=jnp.float32) * s1
    Wd1 = jax.random.normal(ks[3], (D, HEADS1 * HID), dtype=jnp.float32) * s1
    as1 = jax.random.normal(ks[4], (HEADS1, HID), dtype=jnp.float32) * 0.1
    ad1 = jax.random.normal(ks[5], (HEADS1, HID), dtype=jnp.float32) * 0.1
    b1 = jnp.zeros((HEADS1 * HID,), dtype=jnp.float32)
    s2 = 1.0 / np.sqrt(HEADS1 * HID)
    Ws2 = jax.random.normal(ks[6], (HEADS1 * HID, OUT), dtype=jnp.float32) * s2
    Wd2 = jax.random.normal(ks[7], (HEADS1 * HID, OUT), dtype=jnp.float32) * s2
    as2 = jax.random.normal(ks[8], (1, OUT), dtype=jnp.float32) * 0.1
    ad2 = jax.random.normal(ks[9], (1, OUT), dtype=jnp.float32) * 0.1
    b2 = jnp.zeros((OUT,), dtype=jnp.float32)
    return {"x": x, "edge_index": edge_index, "Ws1": Ws1, "Wd1": Wd1,
            "as1": as1, "ad1": ad1, "b1": b1, "Ws2": Ws2, "Wd2": Wd2,
            "as2": as2, "ad2": ad2, "b2": b2}


def gat_layer(x, edge_index, Ws, Wd, a_s, a_d, b, heads, ch):
    src = edge_index[0]
    dst = edge_index[1]
    n = x.shape[0]
    xs = (x @ Ws).reshape(n, heads, ch)
    xd = (x @ Wd).reshape(n, heads, ch)
    alpha_src = jnp.sum(xs * a_s[None, :, :], axis=-1)  # [n, heads]
    alpha_dst = jnp.sum(xd * a_d[None, :, :], axis=-1)  # [n, heads]
    alpha = alpha_src[src] + alpha_dst[dst]             # [E, heads]
    alpha = jax.nn.leaky_relu(alpha, negative_slope=NEG_SLOPE)
    amax = jax.ops.segment_max(alpha, dst, num_segments=n)
    amax = jnp.where(jnp.isfinite(amax), amax, 0.0)
    ex = jnp.exp(alpha - amax[dst])
    denom = jax.ops.segment_sum(ex, dst, num_segments=n)
    attn = ex / (denom[dst] + 1e-16)                    # [E, heads]
    msg = xs[src] * attn[:, :, None]                    # [E, heads, ch]
    out = jax.ops.segment_sum(msg, dst, num_segments=n)  # [n, heads, ch]
    return out.reshape(n, heads * ch) + b


def reference(x, edge_index, Ws1, Wd1, as1, ad1, b1, Ws2, Wd2, as2, ad2, b2):
    h = gat_layer(x, edge_index, Ws1, Wd1, as1, ad1, b1, HEADS1, HID)
    h = jax.nn.relu(h)
    out = gat_layer(h, edge_index, Ws2, Wd2, as2, ad2, b2, 1, OUT)
    return out

if __name__ == "__main__":
    import jax
    _d = setup_inputs()
    print(jax.jit(kernel)(*tuple(_d.values())))

</pallas_src>

<mosaic_0001>
#map = affine_map<(d0, d1) -> (0, 0)>
module attributes {stable_mosaic.version = 14 : i64} {
  func.func @edge_pass(%arg0: i32, %arg1: i32, %arg2: memref<10000x144xf32, #tpu.memory_space<hbm>>, %arg3: memref<10000x16xf32, #tpu.memory_space<hbm>>, %arg4: memref<4000x80xi32, #tpu.memory_space<hbm>>, %arg5: memref<4000x80xi32, #tpu.memory_space<hbm>>, %arg6: memref<10240x144xf32, #tpu.memory_space<hbm>>, %arg7: memref<20480x144xf32, #tpu.memory_space<hbm>>, %arg8: memref<80xi32, #tpu.memory_space<vmem>>, %arg9: memref<80xi32, #tpu.memory_space<vmem>>, %arg10: memref<80xi32, #tpu.memory_space<vmem>>, %arg11: memref<80xi32, #tpu.memory_space<vmem>>, %arg12: memref<80x144xf32, #tpu.memory_space<vmem>>, %arg13: memref<80x144xf32, #tpu.memory_space<vmem>>, %arg14: memref<80x16xf32, #tpu.memory_space<vmem>>, %arg15: memref<80x16xf32, #tpu.memory_space<vmem>>, %arg16: memref<10240x144xf32, #tpu.memory_space<vmem_shared>>, %arg17: memref<!tpu.dma_semaphore, #tpu.memory_space<semaphore_mem>>, %arg18: memref<!tpu.dma_semaphore, #tpu.memory_space<semaphore_mem>>, %arg19: memref<!tpu.dma_semaphore, #tpu.memory_space<semaphore_mem>>, %arg20: memref<!tpu.dma_semaphore, #tpu.memory_space<semaphore_mem>>) attributes {dimension_semantics = [#tpu.dimension_semantics<core_parallel>, #tpu.dimension_semantics<subcore_parallel>], iteration_bounds = array<i64: 2, 16>, scalar_prefetch = 0 : i64, scratch_operands = 13 : i64, tpu.core_type = #tpu.core_type<sc_vector_subcore>, window_params = [{transform_indices = #map}, {transform_indices = #map}, {transform_indices = #map}, {transform_indices = #map}, {transform_indices = #map}, {transform_indices = #map}]} {
    %mul3A = arith.constant 640 : i32
    %mul3A_0 = arith.muli %arg1, %mul3A : i32
    "tpu.region"() ({
      %run_scoped3A = tpu.sem_alloc : memref<!tpu.dma_semaphore, #tpu.memory_space<semaphore_mem>>
      %dma_start3A_34 = arith.constant 0 : i32
      %dma_start3A_35 = tpu.memref_slice %arg16[%mul3A_0, %dma_start3A_34] : memref<10240x144xf32, #tpu.memory_space<vmem_shared>> -> memref<640x144xf32, #tpu.memory_space<vmem_shared>>
      %dma_start3A_36 = arith.constant 0 : i32
      %dma_start3A_37 = tpu.memref_slice %arg6[%mul3A_0, %dma_start3A_36] : memref<10240x144xf32, #tpu.memory_space<hbm>> -> memref<640x144xf32, #tpu.memory_space<hbm>>
      tpu.enqueue_dma source(%dma_start3A_37 : memref<640x144xf32, #tpu.memory_space<hbm>>) target(%dma_start3A_35 : memref<640x144xf32, #tpu.memory_space<vmem_shared>>) target_semaphore(%run_scoped3A : memref<!tpu.dma_semaphore, #tpu.memory_space<semaphore_mem>>)
      %dma_wait3A_38 = arith.constant 0 : i32
      %dma_wait3A_39 = tpu.memref_slice %arg16[%mul3A_0, %dma_wait3A_38] : memref<10240x144xf32, #tpu.memory_space<vmem_shared>> -> memref<640x144xf32, #tpu.memory_space<vmem_shared>>
      %dma_wait3A_40 = arith.constant 0 : i32
      %dma_wait3A_41 = tpu.memref_slice %arg6[%mul3A_0, %dma_wait3A_40] : memref<10240x144xf32, #tpu.memory_space<hbm>> -> memref<640x144xf32, #tpu.memory_space<hbm>>
      tpu.wait_dma2 semaphore(%run_scoped3A : memref<!tpu.dma_semaphore, #tpu.memory_space<semaphore_mem>>) src(%dma_wait3A_41 : memref<640x144xf32, #tpu.memory_space<hbm>>) dst(%dma_wait3A_39 : memref<640x144xf32, #tpu.memory_space<vmem_shared>>)
      tpu.yield
    }) : () -> ()
    %barrier3A = arith.constant 0 : index
    tpu.barrier barrier_id(%barrier3A)
    %mul3A_1 = arith.constant 16 : i32
    %mul3A_2 = arith.muli %arg0, %mul3A_1 : i32
    %add3A = arith.addi %mul3A_2, %arg1 : i32
    %mul3A_3 = arith.constant 125 : i32
    %mul3A_4 = arith.muli %add3A, %mul3A_3 : i32
    %add3A_5 = arith.constant 0 : i32
    %add3A_6 = arith.addi %add3A_5, %mul3A_4 : i32
    "tpu.region"() ({
      %run_scoped3A = tpu.sem_alloc : memref<!tpu.dma_semaphore, #tpu.memory_space<semaphore_mem>>
      %dma_start3A_34 = arith.constant 0 : i32
      %dma_start3A_35 = tpu.memref_slice %arg4[%add3A_6, %dma_start3A_34] : memref<4000x80xi32, #tpu.memory_space<hbm>> -> memref<1x80xi32, #tpu.memory_space<hbm>>
      %dma_start3A_36 = tpu.memref_squeeze %dma_start3A_35 : memref<1x80xi32, #tpu.memory_space<hbm>> -> memref<80xi32, #tpu.memory_space<hbm>>
      %dma_start3A_37 = arith.constant 0 : i32
      %dma_start3A_38 = tpu.memref_slice %arg4[%add3A_6, %dma_start3A_37] : memref<4000x80xi32, #tpu.memory_space<hbm>> -> memref<1x80xi32, #tpu.memory_space<hbm>>
      %dma_start3A_39 = tpu.memref_squeeze %dma_start3A_38 : memref<1x80xi32, #tpu.memory_space<hbm>> -> memref<80xi32, #tpu.memory_space<hbm>>
      tpu.enqueue_dma source(%dma_start3A_39 : memref<80xi32, #tpu.memory_space<hbm>>) target(%arg8 : memref<80xi32, #tpu.memory_space<vmem>>) target_semaphore(%run_scoped3A : memref<!tpu.dma_semaphore, #tpu.memory_space<semaphore_mem>>)
      %dma_wait3A_40 = arith.constant 0 : i32
      %dma_wait3A_41 = tpu.memref_slice %arg4[%add3A_6, %dma_wait3A_40] : memref<4000x80xi32, #tpu.memory_space<hbm>> -> memref<1x80xi32, #tpu.memory_space<hbm>>
      %dma_wait3A_42 = tpu.memref_squeeze %dma_wait3A_41 : memref<1x80xi32, #tpu.memory_space<hbm>> -> memref<80xi32, #tpu.memory_space<hbm>>
      %dma_wait3A_43 = arith.constant 0 : i32
      %dma_wait3A_44 = tpu.memref_slice %arg4[%add3A_6, %dma_wait3A_43] : memref<4000x80xi32, #tpu.memory_space<hbm>> -> memref<1x80xi32, #tpu.memory_space<hbm>>
      %dma_wait3A_45 = tpu.memref_squeeze %dma_wait3A_44 : memref<1x80xi32, #tpu.memory_space<hbm>> -> memref<80xi32, #tpu.memory_space<hbm>>
      tpu.wait_dma2 semaphore(%run_scoped3A : memref<!tpu.dma_semaphore, #tpu.memory_space<semaphore_mem>>) src(%dma_wait3A_45 : memref<80xi32, #tpu.memory_space<hbm>>) dst(%arg8 : memref<80xi32, #tpu.memory_space<vmem>>)
      tpu.yield
    }) : () -> ()
    %add3A_7 = arith.constant 0 : i32
    %add3A_8 = arith.addi %add3A_7, %mul3A_4 : i32
    "tpu.region"() ({
      %run_scoped3A = tpu.sem_alloc : memref<!tpu.dma_semaphore, #tpu.memory_space<semaphore_mem>>
      %dma_start3A_34 = arith.constant 0 : i32
      %dma_start3A_35 = tpu.memref_slice %arg5[%add3A_8, %dma_start3A_34] : memref<4000x80xi32, #tpu.memory_space<hbm>> -> memref<1x80xi32, #tpu.memory_space<hbm>>
      %dma_start3A_36 = tpu.memref_squeeze %dma_start3A_35 : memref<1x80xi32, #tpu.memory_space<hbm>> -> memref<80xi32, #tpu.memory_space<hbm>>
      %dma_start3A_37 = arith.constant 0 : i32
      %dma_start3A_38 = tpu.memref_slice %arg5[%add3A_8, %dma_start3A_37] : memref<4000x80xi32, #tpu.memory_space<hbm>> -> memref<1x80xi32, #tpu.memory_space<hbm>>
      %dma_start3A_39 = tpu.memref_squeeze %dma_start3A_38 : memref<1x80xi32, #tpu.memory_space<hbm>> -> memref<80xi32, #tpu.memory_space<hbm>>
      tpu.enqueue_dma source(%dma_start3A_39 : memref<80xi32, #tpu.memory_space<hbm>>) target(%arg9 : memref<80xi32, #tpu.memory_space<vmem>>) target_semaphore(%run_scoped3A : memref<!tpu.dma_semaphore, #tpu.memory_space<semaphore_mem>>)
      %dma_wait3A_40 = arith.constant 0 : i32
      %dma_wait3A_41 = tpu.memref_slice %arg5[%add3A_8, %dma_wait3A_40] : memref<4000x80xi32, #tpu.memory_space<hbm>> -> memref<1x80xi32, #tpu.memory_space<hbm>>
      %dma_wait3A_42 = tpu.memref_squeeze %dma_wait3A_41 : memref<1x80xi32, #tpu.memory_space<hbm>> -> memref<80xi32, #tpu.memory_space<hbm>>
      %dma_wait3A_43 = arith.constant 0 : i32
      %dma_wait3A_44 = tpu.memref_slice %arg5[%add3A_8, %dma_wait3A_43] : memref<4000x80xi32, #tpu.memory_space<hbm>> -> memref<1x80xi32, #tpu.memory_space<hbm>>
      %dma_wait3A_45 = tpu.memref_squeeze %dma_wait3A_44 : memref<1x80xi32, #tpu.memory_space<hbm>> -> memref<80xi32, #tpu.memory_space<hbm>>
      tpu.wait_dma2 semaphore(%run_scoped3A : memref<!tpu.dma_semaphore, #tpu.memory_space<semaphore_mem>>) src(%dma_wait3A_45 : memref<80xi32, #tpu.memory_space<hbm>>) dst(%arg9 : memref<80xi32, #tpu.memory_space<vmem>>)
      tpu.yield
    }) : () -> ()
    %dma_start3A = arith.constant 0 : i32
    %dma_start3A_9 = arith.constant 0 : i32
    %dma_start3A_10 = tpu.memref_slice %arg2[%dma_start3A, %dma_start3A_9] : memref<10000x144xf32, #tpu.memory_space<hbm>> -> memref<10000x144xf32, #tpu.memory_space<hbm>>
    tpu.enqueue_indirect_dma source(%dma_start3A_10 : memref<10000x144xf32, #tpu.memory_space<hbm>>) target(%arg12 : memref<80x144xf32, #tpu.memory_space<vmem>>) offsets(%arg8 : memref<80xi32, #tpu.memory_space<vmem>>) semaphore(%arg17 : memref<!tpu.dma_semaphore, #tpu.memory_space<semaphore_mem>>)
    %dma_start3A_11 = arith.constant 0 : i32
    %dma_start3A_12 = arith.constant 0 : i32
    %dma_start3A_13 = tpu.memref_slice %arg3[%dma_start3A_11, %dma_start3A_12] : memref<10000x16xf32, #tpu.memory_space<hbm>> -> memref<10000x16xf32, #tpu.memory_space<hbm>>
    tpu.enqueue_indirect_dma source(%dma_start3A_13 : memref<10000x16xf32, #tpu.memory_space<hbm>>) target(%arg14 : memref<80x16xf32, #tpu.memory_space<vmem>>) offsets(%arg9 : memref<80xi32, #tpu.memory_space<vmem>>) semaphore(%arg18 : memref<!tpu.dma_semaphore, #tpu.memory_space<semaphore_mem>>)
    %scan3A = arith.constant 0 : i32
    %scan3A_14 = arith.constant 0 : i32
    %scan3A_15 = arith.constant 62 : i32
    %scan3A_16 = arith.addi %scan3A_14, %scan3A_15 : i32
    %scan3A_17 = arith.constant 1 : i32
    scf.for %scan3A_34 = %scan3A_14 to %scan3A_16 step %scan3A_17  : i32 {
      %mul3A_35 = arith.constant 2 : i32
      %mul3A_36 = arith.muli %mul3A_35, %scan3A_34 : i32
      %add3A_37 = arith.constant 1 : i32
      %add3A_38 = arith.addi %mul3A_36, %add3A_37 : i32
      %add3A_39 = arith.addi %add3A_38, %mul3A_4 : i32
      "tpu.region"() ({
        %run_scoped3A = tpu.sem_alloc : memref<!tpu.dma_semaphore, #tpu.memory_space<semaphore_mem>>
        %dma_start3A_85 = arith.constant 0 : i32
        %dma_start3A_86 = tpu.memref_slice %arg4[%add3A_39, %dma_start3A_85] : memref<4000x80xi32, #tpu.memory_space<hbm>> -> memref<1x80xi32, #tpu.memory_space<hbm>>
        %dma_start3A_87 = tpu.memref_squeeze %dma_start3A_86 : memref<1x80xi32, #tpu.memory_space<hbm>> -> memref<80xi32, #tpu.memory_space<hbm>>
        %dma_start3A_88 = arith.constant 0 : i32
        %dma_start3A_89 = tpu.memref_slice %arg4[%add3A_39, %dma_start3A_88] : memref<4000x80xi32, #tpu.memory_space<hbm>> -> memref<1x80xi32, #tpu.memory_space<hbm>>
        %dma_start3A_90 = tpu.memref_squeeze %dma_start3A_89 : memref<1x80xi32, #tpu.memory_space<hbm>> -> memref<80xi32, #tpu.memory_space<hbm>>
        tpu.enqueue_dma source(%dma_start3A_90 : memref<80xi32, #tpu.memory_space<hbm>>) target(%arg10 : memref<80xi32, #tpu.memory_space<vmem>>) target_semaphore(%run_scoped3A : memref<!tpu.dma_semaphore, #tpu.memory_space<semaphore_mem>>)
        %dma_wait3A_91 = arith.constant 0 : i32
        %dma_wait3A_92 = tpu.memref_slice %arg4[%add3A_39, %dma_wait3A_91] : memref<4000x80xi32, #tpu.memory_space<hbm>> -> memref<1x80xi32, #tpu.memory_space<hbm>>
        %dma_wait3A_93 = tpu.memref_squeeze %dma_wait3A_92 : memref<1x80xi32, #tpu.memory_space<hbm>> -> memref<80xi32, #tpu.memory_space<hbm>>
        %dma_wait3A_94 = arith.constant 0 : i32
        %dma_wait3A_95 = tpu.memref_slice %arg4[%add3A_39, %dma_wait3A_94] : memref<4000x80xi32, #tpu.memory_space<hbm>> -> memref<1x80xi32, #tpu.memory_space<hbm>>
        %dma_wait3A_96 = tpu.memref_squeeze %dma_wait3A_95 : memref<1x80xi32, #tpu.memory_space<hbm>> -> memref<80xi32, #tpu.memory_space<hbm>>
        tpu.wait_dma2 semaphore(%run_scoped3A : memref<!tpu.dma_semaphore, #tpu.memory_space<semaphore_mem>>) src(%dma_wait3A_96 : memref<80xi32, #tpu.memory_space<hbm>>) dst(%arg10 : memref<80xi32, #tpu.memory_space<vmem>>)
        tpu.yield
      }) : () -> ()
      %add3A_40 = arith.addi %add3A_38, %mul3A_4 : i32
      "tpu.region"() ({
        %run_scoped3A = tpu.sem_alloc : memref<!tpu.dma_semaphore, #tpu.memory_space<semaphore_mem>>
        %dma_start3A_85 = arith.constant 0 : i32
        %dma_start3A_86 = tpu.memref_slice %arg5[%add3A_40, %dma_start3A_85] : memref<4000x80xi32, #tpu.memory_space<hbm>> -> memref<1x80xi32, #tpu.memory_space<hbm>>
        %dma_start3A_87 = tpu.memref_squeeze %dma_start3A_86 : memref<1x80xi32, #tpu.memory_space<hbm>> -> memref<80xi32, #tpu.memory_space<hbm>>
        %dma_start3A_88 = arith.constant 0 : i32
        %dma_start3A_89 = tpu.memref_slice %arg5[%add3A_40, %dma_start3A_88] : memref<4000x80xi32, #tpu.memory_space<hbm>> -> memref<1x80xi32, #tpu.memory_space<hbm>>
        %dma_start3A_90 = tpu.memref_squeeze %dma_start3A_89 : memref<1x80xi32, #tpu.memory_space<hbm>> -> memref<80xi32, #tpu.memory_space<hbm>>
        tpu.enqueue_dma source(%dma_start3A_90 : memref<80xi32, #tpu.memory_space<hbm>>) target(%arg11 : memref<80xi32, #tpu.memory_space<vmem>>) target_semaphore(%run_scoped3A : memref<!tpu.dma_semaphore, #tpu.memory_space<semaphore_mem>>)
        %dma_wait3A_91 = arith.constant 0 : i32
        %dma_wait3A_92 = tpu.memref_slice %arg5[%add3A_40, %dma_wait3A_91] : memref<4000x80xi32, #tpu.memory_space<hbm>> -> memref<1x80xi32, #tpu.memory_space<hbm>>
        %dma_wait3A_93 = tpu.memref_squeeze %dma_wait3A_92 : memref<1x80xi32, #tpu.memory_space<hbm>> -> memref<80xi32, #tpu.memory_space<hbm>>
        %dma_wait3A_94 = arith.constant 0 : i32
        %dma_wait3A_95 = tpu.memref_slice %arg5[%add3A_40, %dma_wait3A_94] : memref<4000x80xi32, #tpu.memory_space<hbm>> -> memref<1x80xi32, #tpu.memory_space<hbm>>
        %dma_wait3A_96 = tpu.memref_squeeze %dma_wait3A_95 : memref<1x80xi32, #tpu.memory_space<hbm>> -> memref<80xi32, #tpu.memory_space<hbm>>
        tpu.wait_dma2 semaphore(%run_scoped3A : memref<!tpu.dma_semaphore, #tpu.memory_space<semaphore_mem>>) src(%dma_wait3A_96 : memref<80xi32, #tpu.memory_space<hbm>>) dst(%arg11 : memref<80xi32, #tpu.memory_space<vmem>>)
        tpu.yield
      }) : () -> ()
      %dma_start3A_41 = arith.constant 0 : i32
      %dma_start3A_42 = arith.constant 0 : i32
      %dma_start3A_43 = tpu.memref_slice %arg2[%dma_start3A_41, %dma_start3A_42] : memref<10000x144xf32, #tpu.memory_space<hbm>> -> memref<10000x144xf32, #tpu.memory_space<hbm>>
      tpu.enqueue_indirect_dma source(%dma_start3A_43 : memref<10000x144xf32, #tpu.memory_space<hbm>>) target(%arg13 : memref<80x144xf32, #tpu.memory_space<vmem>>) offsets(%arg10 : memref<80xi32, #tpu.memory_space<vmem>>) semaphore(%arg19 : memref<!tpu.dma_semaphore, #tpu.memory_space<semaphore_mem>>)
      %dma_start3A_44 = arith.constant 0 : i32
      %dma_start3A_45 = arith.constant 0 : i32
      %dma_start3A_46 = tpu.memref_slice %arg3[%dma_start3A_44, %dma_start3A_45] : memref<10000x16xf32, #tpu.memory_space<hbm>> -> memref<10000x16xf32, #tpu.memory_space<hbm>>
      tpu.enqueue_indirect_dma source(%dma_start3A_46 : memref<10000x16xf32, #tpu.memory_space<hbm>>) target(%arg15 : memref<80x16xf32, #tpu.memory_space<vmem>>) offsets(%arg11 : memref<80xi32, #tpu.memory_space<vmem>>) semaphore(%arg20 : memref<!tpu.dma_semaphore, #tpu.memory_space<semaphore_mem>>)
      %dma_wait3A_47 = arith.constant 0 : i32
      %dma_wait3A_48 = arith.constant 0 : i32
      %dma_wait3A_49 = tpu.memref_slice %arg2[%dma_wait3A_47, %dma_wait3A_48] : memref<10000x144xf32, #tpu.memory_space<hbm>> -> memref<10000x144xf32, #tpu.memory_space<hbm>>
      tpu.wait_indirect_dma semaphore(%arg17 : memref<!tpu.dma_semaphore, #tpu.memory_space<semaphore_mem>>) src(%dma_wait3A_49 : memref<10000x144xf32, #tpu.memory_space<hbm>>) dst(%arg12 : memref<80x144xf32, #tpu.memory_space<vmem>>)
      %dma_wait3A_50 = arith.constant 0 : i32
      %dma_wait3A_51 = arith.constant 0 : i32
      %dma_wait3A_52 = tpu.memref_slice %arg3[%dma_wait3A_50, %dma_wait3A_51] : memref<10000x16xf32, #tpu.memory_space<hbm>> -> memref<10000x16xf32, #tpu.memory_space<hbm>>
      tpu.wait_indirect_dma semaphore(%arg18 : memref<!tpu.dma_semaphore, #tpu.memory_space<semaphore_mem>>) src(%dma_wait3A_52 : memref<10000x16xf32, #tpu.memory_space<hbm>>) dst(%arg14 : memref<80x16xf32, #tpu.memory_space<vmem>>)
      %scan3A_53 = arith.constant 0 : i32
      %scan3A_54 = arith.constant 0 : i32
      %scan3A_55 = arith.constant 80 : i32
      %scan3A_56 = arith.addi %scan3A_54, %scan3A_55 : i32
      %scan3A_57 = arith.constant 1 : i32
      scf.for %scan3A_85 = %scan3A_54 to %scan3A_56 step %scan3A_57  : i32 {
        %get3A = arith.index_cast %scan3A_85 : i32 to index
        %get3A_86 = arith.constant 128 : index
        %get3A_87 = tpu.vector_load %arg12[%get3A, %get3A_86] {strides = array<i32>} : memref<80x144xf32, #tpu.memory_space<vmem>>, vector<1x16xf32>,
        %get3A_88 = vector.shape_cast %get3A_87 : vector<1x16xf32> to vector<16xf32>
        %get3A_89 = arith.index_cast %scan3A_85 : i32 to index
        %get3A_90 = arith.constant 0 : index
        %get3A_91 = tpu.vector_load %arg14[%get3A_89, %get3A_90] {strides = array<i32>} : memref<80x16xf32, #tpu.memory_space<vmem>>, vector<1x16xf32>,
        %get3A_92 = vector.shape_cast %get3A_91 : vector<1x16xf32> to vector<16xf32>
        %add3A_93 = arith.addf %get3A_88, %get3A_92 : vector<16xf32>
        %mul3A_94 = arith.constant 2.000000e-01 : f32
        %mul3A_95 = vector.broadcast %mul3A_94 : f32 to vector<16xf32>
        %mul3A_96 = arith.mulf %add3A_93, %mul3A_95 : vector<16xf32>
        %max3A = arith.maximumf %add3A_93, %mul3A_96 : vector<16xf32>
        %exp3A = math.exp %max3A : vector<16xf32>
        %iota3A = tpu.iota {dimensions = array<i32: 0>} : vector<16xi32>
        %lt3A = arith.constant 2 : i32
        %lt3A_97 = vector.broadcast %lt3A : i32 to vector<16xi32>
        %lt3A_98 = arith.cmpi slt, %iota3A, %lt3A_97 : vector<16xi32>
        %jit3A = arith.constant 0.000000e+00 : f32
        %broadcast_in_dim3A = vector.broadcast %jit3A : f32 to vector<16xf32>
        %select_n3A = arith.select %lt3A_98, %exp3A, %broadcast_in_dim3A : vector<16xi1>, vector<16xf32>
        %swap3A = arith.index_cast %scan3A_85 : i32 to index
        %swap3A_99 = arith.constant 128 : index
        %swap3A_100 = tpu.vector_load %arg12[%swap3A, %swap3A_99] {strides = array<i32>} : memref<80x144xf32, #tpu.memory_space<vmem>>, vector<1x16xf32>,
        %swap3A_101 = vector.shape_cast %swap3A_100 : vector<1x16xf32> to vector<16xf32>
        %swap3A_102 = vector.shape_cast %select_n3A : vector<16xf32> to vector<1x16xf32>
        tpu.vector_store %arg12[%swap3A, %swap3A_99], %swap3A_102 {strides = array<i32>} : memref<80x144xf32, #tpu.memory_space<vmem>>, vector<1x16xf32>,
        %broadcast_in_dim3A_103 = arith.constant 0 : i32
        %broadcast_in_dim3A_104 = vector.broadcast %broadcast_in_dim3A_103 : i32 to vector<16xi32>
        %lt3A_105 = arith.constant 0 : i32
        %lt3A_106 = vector.broadcast %lt3A_105 : i32 to vector<16xi32>
        %lt3A_107 = arith.cmpi slt, %broadcast_in_dim3A_104, %lt3A_106 : vector<16xi32>
        %add3A_108 = arith.constant 16 : i32
        %add3A_109 = vector.broadcast %add3A_108 : i32 to vector<16xi32>
        %add3A_110 = arith.addi %broadcast_in_dim3A_104, %add3A_109 : vector<16xi32>
        %select_n3A_111 = arith.select %lt3A_107, %add3A_110, %broadcast_in_dim3A_104 : vector<16xi1>, vector<16xi32>
        %broadcast_in_dim3A_112 = vector.shape_cast %select_n3A_111 : vector<16xi32> to vector<16x1xi32>
        %gather3A = vector.shape_cast %broadcast_in_dim3A_112 : vector<16x1xi32> to vector<16xi32>
        %gather3A_113 = tpu.dynamic_gather %exp3A[%gather3A] in [0] : vector<16xf32>, vector<16xi32> -> vector<16xf32>
        %get3A_114 = arith.index_cast %scan3A_85 : i32 to index
        %get3A_115 = arith.constant 0 : index
        %get3A_116 = tpu.vector_load %arg12[%get3A_114, %get3A_115] {strides = array<i32>} : memref<80x144xf32, #tpu.memory_space<vmem>>, vector<1x16xf32>,
        %get3A_117 = vector.shape_cast %get3A_116 : vector<1x16xf32> to vector<16xf32>
        %mul3A_118 = arith.mulf %get3A_117, %gather3A_113 : vector<16xf32>
        %swap3A_119 = arith.index_cast %scan3A_85 : i32 to index
        %swap3A_120 = arith.constant 0 : index
        %swap3A_121 = tpu.vector_load %arg12[%swap3A_119, %swap3A_120] {strides = array<i32>} : memref<80x144xf32, #tpu.memory_space<vmem>>, vector<1x16xf32>,
        %swap3A_122 = vector.shape_cast %swap3A_121 : vector<1x16xf32> to vector<16xf32>
        %swap3A_123 = vector.shape_cast %mul3A_118 : vector<16xf32> to vector<1x16xf32>
        tpu.vector_store %arg12[%swap3A_119, %swap3A_120], %swap3A_123 {strides = array<i32>} : memref<80x144xf32, #tpu.memory_space<vmem>>, vector<1x16xf32>,
        %get3A_124 = arith.index_cast %scan3A_85 : i32 to index
        %get3A_125 = arith.constant 16 : index
        %get3A_126 = tpu.vector_load %arg12[%get3A_124, %get3A_125] {strides = array<i32>} : memref<80x144xf32, #tpu.memory_space<vmem>>, vector<1x16xf32>,
        %get3A_127 = vector.shape_cast %get3A_126 : vector<1x16xf32> to vector<16xf32>
        %mul3A_128 = arith.mulf %get3A_127, %gather3A_113 : vector<16xf32>
        %swap3A_129 = arith.index_cast %scan3A_85 : i32 to index
        %swap3A_130 = arith.constant 16 : index
        %swap3A_131 = tpu.vector_load %arg12[%swap3A_129, %swap3A_130] {strides = array<i32>} : memref<80x144xf32, #tpu.memory_space<vmem>>, vector<1x16xf32>,
        %swap3A_132 = vector.shape_cast %swap3A_131 : vector<1x16xf32> to vector<16xf32>
        %swap3A_133 = vector.shape_cast %mul3A_128 : vector<16xf32> to vector<1x16xf32>
        tpu.vector_store %arg12[%swap3A_129, %swap3A_130], %swap3A_133 {strides = array<i32>} : memref<80x144xf32, #tpu.memory_space<vmem>>, vector<1x16xf32>,
        %get3A_134 = arith.index_cast %scan3A_85 : i32 to index
        %get3A_135 = arith.constant 32 : index
        %get3A_136 = tpu.vector_load %arg12[%get3A_134, %get3A_135] {strides = array<i32>} : memref<80x144xf32, #tpu.memory_space<vmem>>, vector<1x16xf32>,
        %get3A_137 = vector.shape_cast %get3A_136 : vector<1x16xf32> to vector<16xf32>
        %mul3A_138 = arith.mulf %get3A_137, %gather3A_113 : vector<16xf32>
        %swap3A_139 = arith.index_cast %scan3A_85 : i32 to index
        %swap3A_140 = arith.constant 32 : index
        %swap3A_141 = tpu.vector_load %arg12[%swap3A_139, %swap3A_140] {strides = array<i32>} : memref<80x144xf32, #tpu.memory_space<vmem>>, vector<1x16xf32>,
        %swap3A_142 = vector.shape_cast %swap3A_141 : vector<1x16xf32> to vector<16xf32>
        %swap3A_143 = vector.shape_cast %mul3A_138 : vector<16xf32> to vector<1x16xf32>
        tpu.vector_store %arg12[%swap3A_139, %swap3A_140], %swap3A_143 {strides = array<i32>} : memref<80x144xf32, #tpu.memory_space<vmem>>, vector<1x16xf32>,
        %get3A_144 = arith.index_cast %scan3A_85 : i32 to index
        %get3A_145 = arith.constant 48 : index
        %get3A_146 = tpu.vector_load %arg12[%get3A_144, %get3A_145] {strides = array<i32>} : memref<80x144xf32, #tpu.memory_space<vmem>>, vector<1x16xf32>,
        %get3A_147 = vector.shape_cast %get3A_146 : vector<1x16xf32> to vector<16xf32>
        %mul3A_148 = arith.mulf %get3A_147, %gather3A_113 : vector<16xf32>
        %swap3A_149 = arith.index_cast %scan3A_85 : i32 to index
        %swap3A_150 = arith.constant 48 : index
        %swap3A_151 = tpu.vector_load %arg12[%swap3A_149, %swap3A_150] {strides = array<i32>} : memref<80x144xf32, #tpu.memory_space<vmem>>, vector<1x16xf32>,
        %swap3A_152 = vector.shape_cast %swap3A_151 : vector<1x16xf32> to vector<16xf32>
        %swap3A_153 = vector.shape_cast %mul3A_148 : vector<16xf32> to vector<1x16xf32>
        tpu.vector_store %arg12[%swap3A_149, %swap3A_150], %swap3A_153 {strides = array<i32>} : memref<80x144xf32, #tpu.memory_space<vmem>>, vector<1x16xf32>,
        %broadcast_in_dim3A_154 = arith.constant 1 : i32
        %broadcast_in_dim3A_155 = vector.broadcast %broadcast_in_dim3A_154 : i32 to vector<16xi32>
        %lt3A_156 = arith.constant 0 : i32
        %lt3A_157 = vector.broadcast %lt3A_156 : i32 to vector<16xi32>
        %lt3A_158 = arith.cmpi slt, %broadcast_in_dim3A_155, %lt3A_157 : vector<16xi32>
        %add3A_159 = arith.constant 16 : i32
        %add3A_160 = vector.broadcast %add3A_159 : i32 to vector<16xi32>
        %add3A_161 = arith.addi %broadcast_in_dim3A_155, %add3A_160 : vector<16xi32>
        %select_n3A_162 = arith.select %lt3A_158, %add3A_161, %broadcast_in_dim3A_155 : vector<16xi1>, vector<16xi32>
        %broadcast_in_dim3A_163 = vector.shape_cast %select_n3A_162 : vector<16xi32> to vector<16x1xi32>
        %gather3A_164 = vector.shape_cast %broadcast_in_dim3A_163 : vector<16x1xi32> to vector<16xi32>
        %gather3A_165 = tpu.dynamic_gather %exp3A[%gather3A_164] in [0] : vector<16xf32>, vector<16xi32> -> vector<16xf32>
        %get3A_166 = arith.index_cast %scan3A_85 : i32 to index
        %get3A_167 = arith.constant 64 : index
        %get3A_168 = tpu.vector_load %arg12[%get3A_166, %get3A_167] {strides = array<i32>} : memref<80x144xf32, #tpu.memory_space<vmem>>, vector<1x16xf32>,
        %get3A_169 = vector.shape_cast %get3A_168 : vector<1x16xf32> to vector<16xf32>
        %mul3A_170 = arith.mulf %get3A_169, %gather3A_165 : vector<16xf32>
        %swap3A_171 = arith.index_cast %scan3A_85 : i32 to index
        %swap3A_172 = arith.constant 64 : index
        %swap3A_173 = tpu.vector_load %arg12[%swap3A_171, %swap3A_172] {strides = array<i32>} : memref<80x144xf32, #tpu.memory_space<vmem>>, vector<1x16xf32>,
        %swap3A_174 = vector.shape_cast %swap3A_173 : vector<1x16xf32> to vector<16xf32>
        %swap3A_175 = vector.shape_cast %mul3A_170 : vector<16xf32> to vector<1x16xf32>
        tpu.vector_store %arg12[%swap3A_171, %swap3A_172], %swap3A_175 {strides = array<i32>} : memref<80x144xf32, #tpu.memory_space<vmem>>, vector<1x16xf32>,
        %get3A_176 = arith.index_cast %scan3A_85 : i32 to index
        %get3A_177 = arith.constant 80 : index
        %get3A_178 = tpu.vector_load %arg12[%get3A_176, %get3A_177] {strides = array<i32>} : memref<80x144xf32, #tpu.memory_space<vmem>>, vector<1x16xf32>,
        %get3A_179 = vector.shape_cast %get3A_178 : vector<1x16xf32> to vector<16xf32>
        %mul3A_180 = arith.mulf %get3A_179, %gather3A_165 : vector<16xf32>
        %swap3A_181 = arith.index_cast %scan3A_85 : i32 to index
        %swap3A_182 = arith.constant 80 : index
        %swap3A_183 = tpu.vector_load %arg12[%swap3A_181, %swap3A_182] {strides = array<i32>} : memref<80x144xf32, #tpu.memory_space<vmem>>, vector<1x16xf32>,
        %swap3A_184 = vector.shape_cast %swap3A_183 : vector<1x16xf32> to vector<16xf32>
        %swap3A_185 = vector.shape_cast %mul3A_180 : vector<16xf32> to vector<1x16xf32>
        tpu.vector_store %arg12[%swap3A_181, %swap3A_182], %swap3A_185 {strides = array<i32>} : memref<80x144xf32, #tpu.memory_space<vmem>>, vector<1x16xf32>,
        %get3A_186 = arith.index_cast %scan3A_85 : i32 to index
        %get3A_187 = arith.constant 96 : index
        %get3A_188 = tpu.vector_load %arg12[%get3A_186, %get3A_187] {strides = array<i32>} : memref<80x144xf32, #tpu.memory_space<vmem>>, vector<1x16xf32>,
        %get3A_189 = vector.shape_cast %get3A_188 : vector<1x16xf32> to vector<16xf32>
        %mul3A_190 = arith.mulf %get3A_189, %gather3A_165 : vector<16xf32>
        %swap3A_191 = arith.index_cast %scan3A_85 : i32 to index
        %swap3A_192 = arith.constant 96 : index
        %swap3A_193 = tpu.vector_load %arg12[%swap3A_191, %swap3A_192] {strides = array<i32>} : memref<80x144xf32, #tpu.memory_space<vmem>>, vector<1x16xf32>,
        %swap3A_194 = vector.shape_cast %swap3A_193 : vector<1x16xf32> to vector<16xf32>
        %swap3A_195 = vector.shape_cast %mul3A_190 : vector<16xf32> to vector<1x16xf32>
        tpu.vector_store %arg12[%swap3A_191, %swap3A_192], %swap3A_195 {strides = array<i32>} : memref<80x144xf32, #tpu.memory_space<vmem>>, vector<1x16xf32>,
        %get3A_196 = arith.index_cast %scan3A_85 : i32 to index
        %get3A_197 = arith.constant 112 : index
        %get3A_198 = tpu.vector_load %arg12[%get3A_196, %get3A_197] {strides = array<i32>} : memref<80x144xf32, #tpu.memory_space<vmem>>, vector<1x16xf32>,
        %get3A_199 = vector.shape_cast %get3A_198 : vector<1x16xf32> to vector<16xf32>
        %mul3A_200 = arith.mulf %get3A_199, %gather3A_165 : vector<16xf32>
        %swap3A_201 = arith.index_cast %scan3A_85 : i32 to index
        %swap3A_202 = arith.constant 112 : index
        %swap3A_203 = tpu.vector_load %arg12[%swap3A_201, %swap3A_202] {strides = array<i32>} : memref<80x144xf32, #tpu.memory_space<vmem>>, vector<1x16xf32>,
        %swap3A_204 = vector.shape_cast %swap3A_203 : vector<1x16xf32> to vector<16xf32>
        %swap3A_205 = vector.shape_cast %mul3A_200 : vector<16xf32> to vector<1x16xf32>
        tpu.vector_store %arg12[%swap3A_201, %swap3A_202], %swap3A_205 {strides = array<i32>} : memref<80x144xf32, #tpu.memory_space<vmem>>, vector<1x16xf32>,
      }
      %scan3A_58 = arith.constant 80 : i32
      "tpu.region"() ({
        %run_scoped3A = tpu.sem_alloc : memref<!tpu.dma_semaphore, #tpu.memory_space<semaphore_mem>>
        %dma_start3A_85 = arith.constant 0 : i32
        %dma_start3A_86 = arith.constant 0 : i32
        %dma_start3A_87 = tpu.memref_slice %arg16[%dma_start3A_85, %dma_start3A_86] : memref<10240x144xf32, #tpu.memory_space<vmem_shared>> -> memref<10240x144xf32, #tpu.memory_space<vmem_shared>>
        tpu.enqueue_indirect_dma source(%arg12 : memref<80x144xf32, #tpu.memory_space<vmem>>) target(%dma_start3A_87 : memref<10240x144xf32, #tpu.memory_space<vmem_shared>>) offsets(%arg9 : memref<80xi32, #tpu.memory_space<vmem>>) semaphore(%run_scoped3A : memref<!tpu.dma_semaphore, #tpu.memory_space<semaphore_mem>>) {add = true}
        %dma_wait3A_88 = arith.constant 0 : i32
        %dma_wait3A_89 = arith.constant 0 : i32
        %dma_wait3A_90 = tpu.memref_slice %arg16[%dma_wait3A_88, %dma_wait3A_89] : memref<10240x144xf32, #tpu.memory_space<vmem_shared>> -> memref<10240x144xf32, #tpu.memory_space<vmem_shared>>
        tpu.wait_indirect_dma semaphore(%run_scoped3A : memref<!tpu.dma_semaphore, #tpu.memory_space<semaphore_mem>>) src(%arg12 : memref<80x144xf32, #tpu.memory_space<vmem>>) dst(%dma_wait3A_90 : memref<10240x144xf32, #tpu.memory_space<vmem_shared>>)
        tpu.yield
      }) : () -> ()
      %add3A_59 = arith.constant 2 : i32
      %add3A_60 = arith.addi %mul3A_36, %add3A_59 : i32
      %add3A_61 = arith.addi %add3A_60, %mul3A_4 : i32
      "tpu.region"() ({
        %run_scoped3A = tpu.sem_alloc : memref<!tpu.dma_semaphore, #tpu.memory_space<semaphore_mem>>
        %dma_start3A_85 = arith.constant 0 : i32
        %dma_start3A_86 = tpu.memref_slice %arg4[%add3A_61, %dma_start3A_85] : memref<4000x80xi32, #tpu.memory_space<hbm>> -> memref<1x80xi32, #tpu.memory_space<hbm>>
        %dma_start3A_87 = tpu.memref_squeeze %dma_start3A_86 : memref<1x80xi32, #tpu.memory_space<hbm>> -> memref<80xi32, #tpu.memory_space<hbm>>
        %dma_start3A_88 = arith.constant 0 : i32
        %dma_start3A_89 = tpu.memref_slice %arg4[%add3A_61, %dma_start3A_88] : memref<4000x80xi32, #tpu.memory_space<hbm>> -> memref<1x80xi32, #tpu.memory_space<hbm>>
        %dma_start3A_90 = tpu.memref_squeeze %dma_start3A_89 : memref<1x80xi32, #tpu.memory_space<hbm>> -> memref<80xi32, #tpu.memory_space<hbm>>
        tpu.enqueue_dma source(%dma_start3A_90 : memref<80xi32, #tpu.memory_space<hbm>>) target(%arg8 : memref<80xi32, #tpu.memory_space<vmem>>) target_semaphore(%run_scoped3A : memref<!tpu.dma_semaphore, #tpu.memory_space<semaphore_mem>>)
        %dma_wait3A_91 = arith.constant 0 : i32
        %dma_wait3A_92 = tpu.memref_slice %arg4[%add3A_61, %dma_wait3A_91] : memref<4000x80xi32, #tpu.memory_space<hbm>> -> memref<1x80xi32, #tpu.memory_space<hbm>>
        %dma_wait3A_93 = tpu.memref_squeeze %dma_wait3A_92 : memref<1x80xi32, #tpu.memory_space<hbm>> -> memref<80xi32, #tpu.memory_space<hbm>>
        %dma_wait3A_94 = arith.constant 0 : i32
        %dma_wait3A_95 = tpu.memref_slice %arg4[%add3A_61, %dma_wait3A_94] : memref<4000x80xi32, #tpu.memory_space<hbm>> -> memref<1x80xi32, #tpu.memory_space<hbm>>
        %dma_wait3A_96 = tpu.memref_squeeze %dma_wait3A_95 : memref<1x80xi32, #tpu.memory_space<hbm>> -> memref<80xi32, #tpu.memory_space<hbm>>
        tpu.wait_dma2 semaphore(%run_scoped3A : memref<!tpu.dma_semaphore, #tpu.memory_space<semaphore_mem>>) src(%dma_wait3A_96 : memref<80xi32, #tpu.memory_space<hbm>>) dst(%arg8 : memref<80xi32, #tpu.memory_space<vmem>>)
        tpu.yield
      }) : () -> ()
      %add3A_62 = arith.addi %add3A_60, %mul3A_4 : i32
      "tpu.region"() ({
        %run_scoped3A = tpu.sem_alloc : memref<!tpu.dma_semaphore, #tpu.memory_space<semaphore_mem>>
        %dma_start3A_85 = arith.constant 0 : i32
        %dma_start3A_86 = tpu.memref_slice %arg5[%add3A_62, %dma_start3A_85] : memref<4000x80xi32, #tpu.memory_space<hbm>> -> memref<1x80xi32, #tpu.memory_space<hbm>>
        %dma_start3A_87 = tpu.memref_squeeze %dma_start3A_86 : memref<1x80xi32, #tpu.memory_space<hbm>> -> memref<80xi32, #tpu.memory_space<hbm>>
        %dma_start3A_88 = arith.constant 0 : i32
        %dma_start3A_89 = tpu.memref_slice %arg5[%add3A_62, %dma_start3A_88] : memref<4000x80xi32, #tpu.memory_space<hbm>> -> memref<1x80xi32, #tpu.memory_space<hbm>>
        %dma_start3A_90 = tpu.memref_squeeze %dma_start3A_89 : memref<1x80xi32, #tpu.memory_space<hbm>> -> memref<80xi32, #tpu.memory_space<hbm>>
        tpu.enqueue_dma source(%dma_start3A_90 : memref<80xi32, #tpu.memory_space<hbm>>) target(%arg9 : memref<80xi32, #tpu.memory_space<vmem>>) target_semaphore(%run_scoped3A : memref<!tpu.dma_semaphore, #tpu.memory_space<semaphore_mem>>)
        %dma_wait3A_91 = arith.constant 0 : i32
        %dma_wait3A_92 = tpu.memref_slice %arg5[%add3A_62, %dma_wait3A_91] : memref<4000x80xi32, #tpu.memory_space<hbm>> -> memref<1x80xi32, #tpu.memory_space<hbm>>
        %dma_wait3A_93 = tpu.memref_squeeze %dma_wait3A_92 : memref<1x80xi32, #tpu.memory_space<hbm>> -> memref<80xi32, #tpu.memory_space<hbm>>
        %dma_wait3A_94 = arith.constant 0 : i32
        %dma_wait3A_95 = tpu.memref_slice %arg5[%add3A_62, %dma_wait3A_94] : memref<4000x80xi32, #tpu.memory_space<hbm>> -> memref<1x80xi32, #tpu.memory_space<hbm>>
        %dma_wait3A_96 = tpu.memref_squeeze %dma_wait3A_95 : memref<1x80xi32, #tpu.memory_space<hbm>> -> memref<80xi32, #tpu.memory_space<hbm>>
        tpu.wait_dma2 semaphore(%run_scoped3A : memref<!tpu.dma_semaphore, #tpu.memory_space<semaphore_mem>>) src(%dma_wait3A_96 : memref<80xi32, #tpu.memory_space<hbm>>) dst(%arg9 : memref<80xi32, #tpu.memory_space<vmem>>)
        tpu.yield
      }) : () -> ()
      %dma_start3A_63 = arith.constant 0 : i32
      %dma_start3A_64 = arith.constant 0 : i32
      %dma_start3A_65 = tpu.memref_slice %arg2[%dma_start3A_63, %dma_start3A_64] : memref<10000x144xf32, #tpu.memory_space<hbm>> -> memref<10000x144xf32, #tpu.memory_space<hbm>>
      tpu.enqueue_indirect_dma source(%dma_start3A_65 : memref<10000x144xf32, #tpu.memory_space<hbm>>) target(%arg12 : memref<80x144xf32, #tpu.memory_space<vmem>>) offsets(%arg8 : memref<80xi32, #tpu.memory_space<vmem>>) semaphore(%arg17 : memref<!tpu.dma_semaphore, #tpu.memory_space<semaphore_mem>>)
      %dma_start3A_66 = arith.constant 0 : i32
      %dma_start3A_67 = arith.constant 0 : i32
      %dma_start3A_68 = tpu.memref_slice %arg3[%dma_start3A_66, %dma_start3A_67] : memref<10000x16xf32, #tpu.memory_space<hbm>> -> memref<10000x16xf32, #tpu.memory_space<hbm>>
      tpu.enqueue_indirect_dma source(%dma_start3A_68 : memref<10000x16xf32, #tpu.memory_space<hbm>>) target(%arg14 : memref<80x16xf32, #tpu.memory_space<vmem>>) offsets(%arg9 : memref<80xi32, #tpu.memory_space<vmem>>) semaphore(%arg18 : memref<!tpu.dma_semaphore, #tpu.memory_space<semaphore_mem>>)
      %add3A_69 = arith.constant 1 : i32
      %add3A_70 = arith.addi %mul3A_36, %add3A_69 : i32
      %dma_wait3A_71 = arith.constant 0 : i32
      %dma_wait3A_72 = arith.constant 0 : i32
      %dma_wait3A_73 = tpu.memref_slice %arg2[%dma_wait3A_71, %dma_wait3A_72] : memref<10000x144xf32, #tpu.memory_space<hbm>> -> memref<10000x144xf32, #tpu.memory_space<hbm>>
      tpu.wait_indirect_dma semaphore(%arg19 : memref<!tpu.dma_semaphore, #tpu.memory_space<semaphore_mem>>) src(%dma_wait3A_73 : memref<10000x144xf32, #tpu.memory_space<hbm>>) dst(%arg13 : memref<80x144xf32, #tpu.memory_space<vmem>>)
      %dma_wait3A_74 = arith.constant 0 : i32
      %dma_wait3A_75 = arith.constant 0 : i32
      %dma_wait3A_76 = tpu.memref_slice %arg3[%dma_wait3A_74, %dma_wait3A_75] : memref<10000x16xf32, #tpu.memory_space<hbm>> -> memref<10000x16xf32, #tpu.memory_space<hbm>>
      tpu.wait_indirect_dma semaphore(%arg20 : memref<!tpu.dma_semaphore, #tpu.memory_space<semaphore_mem>>) src(%dma_wait3A_76 : memref<10000x16xf32, #tpu.memory_space<hbm>>) dst(%arg15 : memref<80x16xf32, #tpu.memory_space<vmem>>)
      %add3A_77 = arith.constant 1 : i32
      %add3A_78 = arith.addi %mul3A_36, %add3A_77 : i32
      %scan3A_79 = arith.constant 0 : i32
      %scan3A_80 = arith.constant 0 : i32
      %scan3A_81 = arith.constant 80 : i32
      %scan3A_82 = arith.addi %scan3A_80, %scan3A_81 : i32
      %scan3A_83 = arith.constant 1 : i32
      scf.for %scan3A_85 = %scan3A_80 to %scan3A_82 step %scan3A_83  : i32 {
        %get3A = arith.index_cast %scan3A_85 : i32 to index
        %get3A_86 = arith.constant 128 : index
        %get3A_87 = tpu.vector_load %arg13[%get3A, %get3A_86] {strides = array<i32>} : memref<80x144xf32, #tpu.memory_space<vmem>>, vector<1x16xf32>,
        %get3A_88 = vector.shape_cast %get3A_87 : vector<1x16xf32> to vector<16xf32>
        %get3A_89 = arith.index_cast %scan3A_85 : i32 to index
        %get3A_90 = arith.constant 0 : index
        %get3A_91 = tpu.vector_load %arg15[%get3A_89, %get3A_90] {strides = array<i32>} : memref<80x16xf32, #tpu.memory_space<vmem>>, vector<1x16xf32>,
        %get3A_92 = vector.shape_cast %get3A_91 : vector<1x16xf32> to vector<16xf32>
        %add3A_93 = arith.addf %get3A_88, %get3A_92 : vector<16xf32>
        %mul3A_94 = arith.constant 2.000000e-01 : f32
        %mul3A_95 = vector.broadcast %mul3A_94 : f32 to vector<16xf32>
        %mul3A_96 = arith.mulf %add3A_93, %mul3A_95 : vector<16xf32>
        %max3A = arith.maximumf %add3A_93, %mul3A_96 : vector<16xf32>
        %exp3A = math.exp %max3A : vector<16xf32>
        %iota3A = tpu.iota {dimensions = array<i32: 0>} : vector<16xi32>
        %lt3A = arith.constant 2 : i32
        %lt3A_97 = vector.broadcast %lt3A : i32 to vector<16xi32>
        %lt3A_98 = arith.cmpi slt, %iota3A, %lt3A_97 : vector<16xi32>
        %jit3A = arith.constant 0.000000e+00 : f32
        %broadcast_in_dim3A = vector.broadcast %jit3A : f32 to vector<16xf32>
        %select_n3A = arith.select %lt3A_98, %exp3A, %broadcast_in_dim3A : vector<16xi1>, vector<16xf32>
        %swap3A = arith.index_cast %scan3A_85 : i32 to index
        %swap3A_99 = arith.constant 128 : index
        %swap3A_100 = tpu.vector_load %arg13[%swap3A, %swap3A_99] {strides = array<i32>} : memref<80x144xf32, #tpu.memory_space<vmem>>, vector<1x16xf32>,
        %swap3A_101 = vector.shape_cast %swap3A_100 : vector<1x16xf32> to vector<16xf32>
        %swap3A_102 = vector.shape_cast %select_n3A : vector<16xf32> to vector<1x16xf32>
        tpu.vector_store %arg13[%swap3A, %swap3A_99], %swap3A_102 {strides = array<i32>} : memref<80x144xf32, #tpu.memory_space<vmem>>, vector<1x16xf32>,
        %broadcast_in_dim3A_103 = arith.constant 0 : i32
        %broadcast_in_dim3A_104 = vector.broadcast %broadcast_in_dim3A_103 : i32 to vector<16xi32>
        %lt3A_105 = arith.constant 0 : i32
        %lt3A_106 = vector.broadcast %lt3A_105 : i32 to vector<16xi32>
        %lt3A_107 = arith.cmpi slt, %broadcast_in_dim3A_104, %lt3A_106 : vector<16xi32>
        %add3A_108 = arith.constant 16 : i32
        %add3A_109 = vector.broadcast %add3A_108 : i32 to vector<16xi32>
        %add3A_110 = arith.addi %broadcast_in_dim3A_104, %add3A_109 : vector<16xi32>
        %select_n3A_111 = arith.select %lt3A_107, %add3A_110, %broadcast_in_dim3A_104 : vector<16xi1>, vector<16xi32>
        %broadcast_in_dim3A_112 = vector.shape_cast %select_n3A_111 : vector<16xi32> to vector<16x1xi32>
        %gather3A = vector.shape_cast %broadcast_in_dim3A_112 : vector<16x1xi32> to vector<16xi32>
        %gather3A_113 = tpu.dynamic_gather %exp3A[%gather3A] in [0] : vector<16xf32>, vector<16xi32> -> vector<16xf32>
        %get3A_114 = arith.index_cast %scan3A_85 : i32 to index
        %get3A_115 = arith.constant 0 : index
        %get3A_116 = tpu.vector_load %arg13[%get3A_114, %get3A_115] {strides = array<i32>} : memref<80x144xf32, #tpu.memory_space<vmem>>, vector<1x16xf32>,
        %get3A_117 = vector.shape_cast %get3A_116 : vector<1x16xf32> to vector<16xf32>
        %mul3A_118 = arith.mulf %get3A_117, %gather3A_113 : vector<16xf32>
        %swap3A_119 = arith.index_cast %scan3A_85 : i32 to index
        %swap3A_120 = arith.constant 0 : index
        %swap3A_121 = tpu.vector_load %arg13[%swap3A_119, %swap3A_120] {strides = array<i32>} : memref<80x144xf32, #tpu.memory_space<vmem>>, vector<1x16xf32>,
        %swap3A_122 = vector.shape_cast %swap3A_121 : vector<1x16xf32> to vector<16xf32>
        %swap3A_123 = vector.shape_cast %mul3A_118 : vector<16xf32> to vector<1x16xf32>
        tpu.vector_store %arg13[%swap3A_119, %swap3A_120], %swap3A_123 {strides = array<i32>} : memref<80x144xf32, #tpu.memory_space<vmem>>, vector<1x16xf32>,
        %get3A_124 = arith.index_cast %scan3A_85 : i32 to index
        %get3A_125 = arith.constant 16 : index
        %get3A_126 = tpu.vector_load %arg13[%get3A_124, %get3A_125] {strides = array<i32>} : memref<80x144xf32, #tpu.memory_space<vmem>>, vector<1x16xf32>,
        %get3A_127 = vector.shape_cast %get3A_126 : vector<1x16xf32> to vector<16xf32>
        %mul3A_128 = arith.mulf %get3A_127, %gather3A_113 : vector<16xf32>
        %swap3A_129 = arith.index_cast %scan3A_85 : i32 to index
        %swap3A_130 = arith.constant 16 : index
        %swap3A_131 = tpu.vector_load %arg13[%swap3A_129, %swap3A_130] {strides = array<i32>} : memref<80x144xf32, #tpu.memory_space<vmem>>, vector<1x16xf32>,
        %swap3A_132 = vector.shape_cast %swap3A_131 : vector<1x16xf32> to vector<16xf32>
        %swap3A_133 = vector.shape_cast %mul3A_128 : vector<16xf32> to vector<1x16xf32>
        tpu.vector_store %arg13[%swap3A_129, %swap3A_130], %swap3A_133 {strides = array<i32>} : memref<80x144xf32, #tpu.memory_space<vmem>>, vector<1x16xf32>,
        %get3A_134 = arith.index_cast %scan3A_85 : i32 to index
        %get3A_135 = arith.constant 32 : index
        %get3A_136 = tpu.vector_load %arg13[%get3A_134, %get3A_135] {strides = array<i32>} : memref<80x144xf32, #tpu.memory_space<vmem>>, vector<1x16xf32>,
        %get3A_137 = vector.shape_cast %get3A_136 : vector<1x16xf32> to vector<16xf32>
        %mul3A_138 = arith.mulf %get3A_137, %gather3A_113 : vector<16xf32>
        %swap3A_139 = arith.index_cast %scan3A_85 : i32 to index
        %swap3A_140 = arith.constant 32 : index
        %swap3A_141 = tpu.vector_load %arg13[%swap3A_139, %swap3A_140] {strides = array<i32>} : memref<80x144xf32, #tpu.memory_space<vmem>>, vector<1x16xf32>,
        %swap3A_142 = vector.shape_cast %swap3A_141 : vector<1x16xf32> to vector<16xf32>
        %swap3A_143 = vector.shape_cast %mul3A_138 : vector<16xf32> to vector<1x16xf32>
        tpu.vector_store %arg13[%swap3A_139, %swap3A_140], %swap3A_143 {strides = array<i32>} : memref<80x144xf32, #tpu.memory_space<vmem>>, vector<1x16xf32>,
        %get3A_144 = arith.index_cast %scan3A_85 : i32 to index
        %get3A_145 = arith.constant 48 : index
        %get3A_146 = tpu.vector_load %arg13[%get3A_144, %get3A_145] {strides = array<i32>} : memref<80x144xf32, #tpu.memory_space<vmem>>, vector<1x16xf32>,
        %get3A_147 = vector.shape_cast %get3A_146 : vector<1x16xf32> to vector<16xf32>
        %mul3A_148 = arith.mulf %get3A_147, %gather3A_113 : vector<16xf32>
        %swap3A_149 = arith.index_cast %scan3A_85 : i32 to index
        %swap3A_150 = arith.constant 48 : index
        %swap3A_151 = tpu.vector_load %arg13[%swap3A_149, %swap3A_150] {strides = array<i32>} : memref<80x144xf32, #tpu.memory_space<vmem>>, vector<1x16xf32>,
        %swap3A_152 = vector.shape_cast %swap3A_151 : vector<1x16xf32> to vector<16xf32>
        %swap3A_153 = vector.shape_cast %mul3A_148 : vector<16xf32> to vector<1x16xf32>
        tpu.vector_store %arg13[%swap3A_149, %swap3A_150], %swap3A_153 {strides = array<i32>} : memref<80x144xf32, #tpu.memory_space<vmem>>, vector<1x16xf32>,
        %broadcast_in_dim3A_154 = arith.constant 1 : i32
        %broadcast_in_dim3A_155 = vector.broadcast %broadcast_in_dim3A_154 : i32 to vector<16xi32>
        %lt3A_156 = arith.constant 0 : i32
        %lt3A_157 = vector.broadcast %lt3A_156 : i32 to vector<16xi32>
        %lt3A_158 = arith.cmpi slt, %broadcast_in_dim3A_155, %lt3A_157 : vector<16xi32>
        %add3A_159 = arith.constant 16 : i32
        %add3A_160 = vector.broadcast %add3A_159 : i32 to vector<16xi32>
        %add3A_161 = arith.addi %broadcast_in_dim3A_155, %add3A_160 : vector<16xi32>
        %select_n3A_162 = arith.select %lt3A_158, %add3A_161, %broadcast_in_dim3A_155 : vector<16xi1>, vector<16xi32>
        %broadcast_in_dim3A_163 = vector.shape_cast %select_n3A_162 : vector<16xi32> to vector<16x1xi32>
        %gather3A_164 = vector.shape_cast %broadcast_in_dim3A_163 : vector<16x1xi32> to vector<16xi32>
        %gather3A_165 = tpu.dynamic_gather %exp3A[%gather3A_164] in [0] : vector<16xf32>, vector<16xi32> -> vector<16xf32>
        %get3A_166 = arith.index_cast %scan3A_85 : i32 to index
        %get3A_167 = arith.constant 64 : index
        %get3A_168 = tpu.vector_load %arg13[%get3A_166, %get3A_167] {strides = array<i32>} : memref<80x144xf32, #tpu.memory_space<vmem>>, vector<1x16xf32>,
        %get3A_169 = vector.shape_cast %get3A_168 : vector<1x16xf32> to vector<16xf32>
        %mul3A_170 = arith.mulf %get3A_169, %gather3A_165 : vector<16xf32>
        %swap3A_171 = arith.index_cast %scan3A_85 : i32 to index
        %swap3A_172 = arith.constant 64 : index
        %swap3A_173 = tpu.vector_load %arg13[%swap3A_171, %swap3A_172] {strides = array<i32>} : memref<80x144xf32, #tpu.memory_space<vmem>>, vector<1x16xf32>,
        %swap3A_174 = vector.shape_cast %swap3A_173 : vector<1x16xf32> to vector<16xf32>
        %swap3A_175 = vector.shape_cast %mul3A_170 : vector<16xf32> to vector<1x16xf32>
        tpu.vector_store %arg13[%swap3A_171, %swap3A_172], %swap3A_175 {strides = array<i32>} : memref<80x144xf32, #tpu.memory_space<vmem>>, vector<1x16xf32>,
        %get3A_176 = arith.index_cast %scan3A_85 : i32 to index
        %get3A_177 = arith.constant 80 : index
        %get3A_178 = tpu.vector_load %arg13[%get3A_176, %get3A_177] {strides = array<i32>} : memref<80x144xf32, #tpu.memory_space<vmem>>, vector<1x16xf32>,
        %get3A_179 = vector.shape_cast %get3A_178 : vector<1x16xf32> to vector<16xf32>
        %mul3A_180 = arith.mulf %get3A_179, %gather3A_165 : vector<16xf32>
        %swap3A_181 = arith.index_cast %scan3A_85 : i32 to index
        %swap3A_182 = arith.constant 80 : index
        %swap3A_183 = tpu.vector_load %arg13[%swap3A_181, %swap3A_182] {strides = array<i32>} : memref<80x144xf32, #tpu.memory_space<vmem>>, vector<1x16xf32>,
        %swap3A_184 = vector.shape_cast %swap3A_183 : vector<1x16xf32> to vector<16xf32>
        %swap3A_185 = vector.shape_cast %mul3A_180 : vector<16xf32> to vector<1x16xf32>
        tpu.vector_store %arg13[%swap3A_181, %swap3A_182], %swap3A_185 {strides = array<i32>} : memref<80x144xf32, #tpu.memory_space<vmem>>, vector<1x16xf32>,
        %get3A_186 = arith.index_cast %scan3A_85 : i32 to index
        %get3A_187 = arith.constant 96 : index
        %get3A_188 = tpu.vector_load %arg13[%get3A_186, %get3A_187] {strides = array<i32>} : memref<80x144xf32, #tpu.memory_space<vmem>>, vector<1x16xf32>,
        %get3A_189 = vector.shape_cast %get3A_188 : vector<1x16xf32> to vector<16xf32>
        %mul3A_190 = arith.mulf %get3A_189, %gather3A_165 : vector<16xf32>
        %swap3A_191 = arith.index_cast %scan3A_85 : i32 to index
        %swap3A_192 = arith.constant 96 : index
        %swap3A_193 = tpu.vector_load %arg13[%swap3A_191, %swap3A_192] {strides = array<i32>} : memref<80x144xf32, #tpu.memory_space<vmem>>, vector<1x16xf32>,
        %swap3A_194 = vector.shape_cast %swap3A_193 : vector<1x16xf32> to vector<16xf32>
        %swap3A_195 = vector.shape_cast %mul3A_190 : vector<16xf32> to vector<1x16xf32>
        tpu.vector_store %arg13[%swap3A_191, %swap3A_192], %swap3A_195 {strides = array<i32>} : memref<80x144xf32, #tpu.memory_space<vmem>>, vector<1x16xf32>,
        %get3A_196 = arith.index_cast %scan3A_85 : i32 to index
        %get3A_197 = arith.constant 112 : index
        %get3A_198 = tpu.vector_load %arg13[%get3A_196, %get3A_197] {strides = array<i32>} : memref<80x144xf32, #tpu.memory_space<vmem>>, vector<1x16xf32>,
        %get3A_199 = vector.shape_cast %get3A_198 : vector<1x16xf32> to vector<16xf32>
        %mul3A_200 = arith.mulf %get3A_199, %gather3A_165 : vector<16xf32>
        %swap3A_201 = arith.index_cast %scan3A_85 : i32 to index
        %swap3A_202 = arith.constant 112 : index
        %swap3A_203 = tpu.vector_load %arg13[%swap3A_201, %swap3A_202] {strides = array<i32>} : memref<80x144xf32, #tpu.memory_space<vmem>>, vector<1x16xf32>,
        %swap3A_204 = vector.shape_cast %swap3A_203 : vector<1x16xf32> to vector<16xf32>
        %swap3A_205 = vector.shape_cast %mul3A_200 : vector<16xf32> to vector<1x16xf32>
        tpu.vector_store %arg13[%swap3A_201, %swap3A_202], %swap3A_205 {strides = array<i32>} : memref<80x144xf32, #tpu.memory_space<vmem>>, vector<1x16xf32>,
      }
      %scan3A_84 = arith.constant 80 : i32
      "tpu.region"() ({
        %run_scoped3A = tpu.sem_alloc : memref<!tpu.dma_semaphore, #tpu.memory_space<semaphore_mem>>
        %dma_start3A_85 = arith.constant 0 : i32
        %dma_start3A_86 = arith.constant 0 : i32
        %dma_start3A_87 = tpu.memref_slice %arg16[%dma_start3A_85, %dma_start3A_86] : memref<10240x144xf32, #tpu.memory_space<vmem_shared>> -> memref<10240x144xf32, #tpu.memory_space<vmem_shared>>
        tpu.enqueue_indirect_dma source(%arg13 : memref<80x144xf32, #tpu.memory_space<vmem>>) target(%dma_start3A_87 : memref<10240x144xf32, #tpu.memory_space<vmem_shared>>) offsets(%arg11 : memref<80xi32, #tpu.memory_space<vmem>>) semaphore(%run_scoped3A : memref<!tpu.dma_semaphore, #tpu.memory_space<semaphore_mem>>) {add = true}
        %dma_wait3A_88 = arith.constant 0 : i32
        %dma_wait3A_89 = arith.constant 0 : i32
        %dma_wait3A_90 = tpu.memref_slice %arg16[%dma_wait3A_88, %dma_wait3A_89] : memref<10240x144xf32, #tpu.memory_space<vmem_shared>> -> memref<10240x144xf32, #tpu.memory_space<vmem_shared>>
        tpu.wait_indirect_dma semaphore(%run_scoped3A : memref<!tpu.dma_semaphore, #tpu.memory_space<semaphore_mem>>) src(%arg13 : memref<80x144xf32, #tpu.memory_space<vmem>>) dst(%dma_wait3A_90 : memref<10240x144xf32, #tpu.memory_space<vmem_shared>>)
        tpu.yield
      }) : () -> ()
    }
    %scan3A_18 = arith.constant 62 : i32
    %dma_wait3A = arith.constant 0 : i32
    %dma_wait3A_19 = arith.constant 0 : i32
    %dma_wait3A_20 = tpu.memref_slice %arg2[%dma_wait3A, %dma_wait3A_19] : memref<10000x144xf32, #tpu.memory_space<hbm>> -> memref<10000x144xf32, #tpu.memory_space<hbm>>
    tpu.wait_indirect_dma semaphore(%arg17 : memref<!tpu.dma_semaphore, #tpu.memory_space<semaphore_mem>>) src(%dma_wait3A_20 : memref<10000x144xf32, #tpu.memory_space<hbm>>) dst(%arg12 : memref<80x144xf32, #tpu.memory_space<vmem>>)
    %dma_wait3A_21 = arith.constant 0 : i32
    %dma_wait3A_22 = arith.constant 0 : i32
    %dma_wait3A_23 = tpu.memref_slice %arg3[%dma_wait3A_21, %dma_wait3A_22] : memref<10000x16xf32, #tpu.memory_space<hbm>> -> memref<10000x16xf32, #tpu.memory_space<hbm>>
    tpu.wait_indirect_dma semaphore(%arg18 : memref<!tpu.dma_semaphore, #tpu.memory_space<semaphore_mem>>) src(%dma_wait3A_23 : memref<10000x16xf32, #tpu.memory_space<hbm>>) dst(%arg14 : memref<80x16xf32, #tpu.memory_space<vmem>>)
    %scan3A_24 = arith.constant 0 : i32
    %scan3A_25 = arith.constant 0 : i32
    %scan3A_26 = arith.constant 80 : i32
    %scan3A_27 = arith.addi %scan3A_25, %scan3A_26 : i32
    %scan3A_28 = arith.constant 1 : i32
    scf.for %scan3A_34 = %scan3A_25 to %scan3A_27 step %scan3A_28  : i32 {
      %get3A = arith.index_cast %scan3A_34 : i32 to index
      %get3A_35 = arith.constant 128 : index
      %get3A_36 = tpu.vector_load %arg12[%get3A, %get3A_35] {strides = array<i32>} : memref<80x144xf32, #tpu.memory_space<vmem>>, vector<1x16xf32>,
      %get3A_37 = vector.shape_cast %get3A_36 : vector<1x16xf32> to vector<16xf32>
      %get3A_38 = arith.index_cast %scan3A_34 : i32 to index
      %get3A_39 = arith.constant 0 : index
      %get3A_40 = tpu.vector_load %arg14[%get3A_38, %get3A_39] {strides = array<i32>} : memref<80x16xf32, #tpu.memory_space<vmem>>, vector<1x16xf32>,
      %get3A_41 = vector.shape_cast %get3A_40 : vector<1x16xf32> to vector<16xf32>
      %add3A_42 = arith.addf %get3A_37, %get3A_41 : vector<16xf32>
      %mul3A_43 = arith.constant 2.000000e-01 : f32
      %mul3A_44 = vector.broadcast %mul3A_43 : f32 to vector<16xf32>
      %mul3A_45 = arith.mulf %add3A_42, %mul3A_44 : vector<16xf32>
      %max3A = arith.maximumf %add3A_42, %mul3A_45 : vector<16xf32>
      %exp3A = math.exp %max3A : vector<16xf32>
      %iota3A = tpu.iota {dimensions = array<i32: 0>} : vector<16xi32>
      %lt3A = arith.constant 2 : i32
      %lt3A_46 = vector.broadcast %lt3A : i32 to vector<16xi32>
      %lt3A_47 = arith.cmpi slt, %iota3A, %lt3A_46 : vector<16xi32>
      %jit3A = arith.constant 0.000000e+00 : f32
      %broadcast_in_dim3A = vector.broadcast %jit3A : f32 to vector<16xf32>
      %select_n3A = arith.select %lt3A_47, %exp3A, %broadcast_in_dim3A : vector<16xi1>, vector<16xf32>
      %swap3A = arith.index_cast %scan3A_34 : i32 to index
      %swap3A_48 = arith.constant 128 : index
      %swap3A_49 = tpu.vector_load %arg12[%swap3A, %swap3A_48] {strides = array<i32>} : memref<80x144xf32, #tpu.memory_space<vmem>>, vector<1x16xf32>,
      %swap3A_50 = vector.shape_cast %swap3A_49 : vector<1x16xf32> to vector<16xf32>
      %swap3A_51 = vector.shape_cast %select_n3A : vector<16xf32> to vector<1x16xf32>
      tpu.vector_store %arg12[%swap3A, %swap3A_48], %swap3A_51 {strides = array<i32>} : memref<80x144xf32, #tpu.memory_space<vmem>>, vector<1x16xf32>,
      %broadcast_in_dim3A_52 = arith.constant 0 : i32
      %broadcast_in_dim3A_53 = vector.broadcast %broadcast_in_dim3A_52 : i32 to vector<16xi32>
      %lt3A_54 = arith.constant 0 : i32
      %lt3A_55 = vector.broadcast %lt3A_54 : i32 to vector<16xi32>
      %lt3A_56 = arith.cmpi slt, %broadcast_in_dim3A_53, %lt3A_55 : vector<16xi32>
      %add3A_57 = arith.constant 16 : i32
      %add3A_58 = vector.broadcast %add3A_57 : i32 to vector<16xi32>
      %add3A_59 = arith.addi %broadcast_in_dim3A_53, %add3A_58 : vector<16xi32>
      %select_n3A_60 = arith.select %lt3A_56, %add3A_59, %broadcast_in_dim3A_53 : vector<16xi1>, vector<16xi32>
      %broadcast_in_dim3A_61 = vector.shape_cast %select_n3A_60 : vector<16xi32> to vector<16x1xi32>
      %gather3A = vector.shape_cast %broadcast_in_dim3A_61 : vector<16x1xi32> to vector<16xi32>
      %gather3A_62 = tpu.dynamic_gather %exp3A[%gather3A] in [0] : vector<16xf32>, vector<16xi32> -> vector<16xf32>
      %get3A_63 = arith.index_cast %scan3A_34 : i32 to index
      %get3A_64 = arith.constant 0 : index
      %get3A_65 = tpu.vector_load %arg12[%get3A_63, %get3A_64] {strides = array<i32>} : memref<80x144xf32, #tpu.memory_space<vmem>>, vector<1x16xf32>,
      %get3A_66 = vector.shape_cast %get3A_65 : vector<1x16xf32> to vector<16xf32>
      %mul3A_67 = arith.mulf %get3A_66, %gather3A_62 : vector<16xf32>
      %swap3A_68 = arith.index_cast %scan3A_34 : i32 to index
      %swap3A_69 = arith.constant 0 : index
      %swap3A_70 = tpu.vector_load %arg12[%swap3A_68, %swap3A_69] {strides = array<i32>} : memref<80x144xf32, #tpu.memory_space<vmem>>, vector<1x16xf32>,
      %swap3A_71 = vector.shape_cast %swap3A_70 : vector<1x16xf32> to vector<16xf32>
      %swap3A_72 = vector.shape_cast %mul3A_67 : vector<16xf32> to vector<1x16xf32>
      tpu.vector_store %arg12[%swap3A_68, %swap3A_69], %swap3A_72 {strides = array<i32>} : memref<80x144xf32, #tpu.memory_space<vmem>>, vector<1x16xf32>,
      %get3A_73 = arith.index_cast %scan3A_34 : i32 to index
      %get3A_74 = arith.constant 16 : index
      %get3A_75 = tpu.vector_load %arg12[%get3A_73, %get3A_74] {strides = array<i32>} : memref<80x144xf32, #tpu.memory_space<vmem>>, vector<1x16xf32>,
      %get3A_76 = vector.shape_cast %get3A_75 : vector<1x16xf32> to vector<16xf32>
      %mul3A_77 = arith.mulf %get3A_76, %gather3A_62 : vector<16xf32>
      %swap3A_78 = arith.index_cast %scan3A_34 : i32 to index
      %swap3A_79 = arith.constant 16 : index
      %swap3A_80 = tpu.vector_load %arg12[%swap3A_78, %swap3A_79] {strides = array<i32>} : memref<80x144xf32, #tpu.memory_space<vmem>>, vector<1x16xf32>,
      %swap3A_81 = vector.shape_cast %swap3A_80 : vector<1x16xf32> to vector<16xf32>
      %swap3A_82 = vector.shape_cast %mul3A_77 : vector<16xf32> to vector<1x16xf32>
      tpu.vector_store %arg12[%swap3A_78, %swap3A_79], %swap3A_82 {strides = array<i32>} : memref<80x144xf32, #tpu.memory_space<vmem>>, vector<1x16xf32>,
      %get3A_83 = arith.index_cast %scan3A_34 : i32 to index
      %get3A_84 = arith.constant 32 : index
      %get3A_85 = tpu.vector_load %arg12[%get3A_83, %get3A_84] {strides = array<i32>} : memref<80x144xf32, #tpu.memory_space<vmem>>, vector<1x16xf32>,
      %get3A_86 = vector.shape_cast %get3A_85 : vector<1x16xf32> to vector<16xf32>
      %mul3A_87 = arith.mulf %get3A_86, %gather3A_62 : vector<16xf32>
      %swap3A_88 = arith.index_cast %scan3A_34 : i32 to index
      %swap3A_89 = arith.constant 32 : index
      %swap3A_90 = tpu.vector_load %arg12[%swap3A_88, %swap3A_89] {strides = array<i32>} : memref<80x144xf32, #tpu.memory_space<vmem>>, vector<1x16xf32>,
      %swap3A_91 = vector.shape_cast %swap3A_90 : vector<1x16xf32> to vector<16xf32>
      %swap3A_92 = vector.shape_cast %mul3A_87 : vector<16xf32> to vector<1x16xf32>
      tpu.vector_store %arg12[%swap3A_88, %swap3A_89], %swap3A_92 {strides = array<i32>} : memref<80x144xf32, #tpu.memory_space<vmem>>, vector<1x16xf32>,
      %get3A_93 = arith.index_cast %scan3A_34 : i32 to index
      %get3A_94 = arith.constant 48 : index
      %get3A_95 = tpu.vector_load %arg12[%get3A_93, %get3A_94] {strides = array<i32>} : memref<80x144xf32, #tpu.memory_space<vmem>>, vector<1x16xf32>,
      %get3A_96 = vector.shape_cast %get3A_95 : vector<1x16xf32> to vector<16xf32>
      %mul3A_97 = arith.mulf %get3A_96, %gather3A_62 : vector<16xf32>
      %swap3A_98 = arith.index_cast %scan3A_34 : i32 to index
      %swap3A_99 = arith.constant 48 : index
      %swap3A_100 = tpu.vector_load %arg12[%swap3A_98, %swap3A_99] {strides = array<i32>} : memref<80x144xf32, #tpu.memory_space<vmem>>, vector<1x16xf32>,
      %swap3A_101 = vector.shape_cast %swap3A_100 : vector<1x16xf32> to vector<16xf32>
      %swap3A_102 = vector.shape_cast %mul3A_97 : vector<16xf32> to vector<1x16xf32>
      tpu.vector_store %arg12[%swap3A_98, %swap3A_99], %swap3A_102 {strides = array<i32>} : memref<80x144xf32, #tpu.memory_space<vmem>>, vector<1x16xf32>,
      %broadcast_in_dim3A_103 = arith.constant 1 : i32
      %broadcast_in_dim3A_104 = vector.broadcast %broadcast_in_dim3A_103 : i32 to vector<16xi32>
      %lt3A_105 = arith.constant 0 : i32
      %lt3A_106 = vector.broadcast %lt3A_105 : i32 to vector<16xi32>
      %lt3A_107 = arith.cmpi slt, %broadcast_in_dim3A_104, %lt3A_106 : vector<16xi32>
      %add3A_108 = arith.constant 16 : i32
      %add3A_109 = vector.broadcast %add3A_108 : i32 to vector<16xi32>
      %add3A_110 = arith.addi %broadcast_in_dim3A_104, %add3A_109 : vector<16xi32>
      %select_n3A_111 = arith.select %lt3A_107, %add3A_110, %broadcast_in_dim3A_104 : vector<16xi1>, vector<16xi32>
      %broadcast_in_dim3A_112 = vector.shape_cast %select_n3A_111 : vector<16xi32> to vector<16x1xi32>
      %gather3A_113 = vector.shape_cast %broadcast_in_dim3A_112 : vector<16x1xi32> to vector<16xi32>
      %gather3A_114 = tpu.dynamic_gather %exp3A[%gather3A_113] in [0] : vector<16xf32>, vector<16xi32> -> vector<16xf32>
      %get3A_115 = arith.index_cast %scan3A_34 : i32 to index
      %get3A_116 = arith.constant 64 : index
      %get3A_117 = tpu.vector_load %arg12[%get3A_115, %get3A_116] {strides = array<i32>} : memref<80x144xf32, #tpu.memory_space<vmem>>, vector<1x16xf32>,
      %get3A_118 = vector.shape_cast %get3A_117 : vector<1x16xf32> to vector<16xf32>
      %mul3A_119 = arith.mulf %get3A_118, %gather3A_114 : vector<16xf32>
      %swap3A_120 = arith.index_cast %scan3A_34 : i32 to index
      %swap3A_121 = arith.constant 64 : index
      %swap3A_122 = tpu.vector_load %arg12[%swap3A_120, %swap3A_121] {strides = array<i32>} : memref<80x144xf32, #tpu.memory_space<vmem>>, vector<1x16xf32>,
      %swap3A_123 = vector.shape_cast %swap3A_122 : vector<1x16xf32> to vector<16xf32>
      %swap3A_124 = vector.shape_cast %mul3A_119 : vector<16xf32> to vector<1x16xf32>
      tpu.vector_store %arg12[%swap3A_120, %swap3A_121], %swap3A_124 {strides = array<i32>} : memref<80x144xf32, #tpu.memory_space<vmem>>, vector<1x16xf32>,
      %get3A_125 = arith.index_cast %scan3A_34 : i32 to index
      %get3A_126 = arith.constant 80 : index
      %get3A_127 = tpu.vector_load %arg12[%get3A_125, %get3A_126] {strides = array<i32>} : memref<80x144xf32, #tpu.memory_space<vmem>>, vector<1x16xf32>,
      %get3A_128 = vector.shape_cast %get3A_127 : vector<1x16xf32> to vector<16xf32>
      %mul3A_129 = arith.mulf %get3A_128, %gather3A_114 : vector<16xf32>
      %swap3A_130 = arith.index_cast %scan3A_34 : i32 to index
      %swap3A_131 = arith.constant 80 : index
      %swap3A_132 = tpu.vector_load %arg12[%swap3A_130, %swap3A_131] {strides = array<i32>} : memref<80x144xf32, #tpu.memory_space<vmem>>, vector<1x16xf32>,
      %swap3A_133 = vector.shape_cast %swap3A_132 : vector<1x16xf32> to vector<16xf32>
      %swap3A_134 = vector.shape_cast %mul3A_129 : vector<16xf32> to vector<1x16xf32>
      tpu.vector_store %arg12[%swap3A_130, %swap3A_131], %swap3A_134 {strides = array<i32>} : memref<80x144xf32, #tpu.memory_space<vmem>>, vector<1x16xf32>,
      %get3A_135 = arith.index_cast %scan3A_34 : i32 to index
      %get3A_136 = arith.constant 96 : index
      %get3A_137 = tpu.vector_load %arg12[%get3A_135, %get3A_136] {strides = array<i32>} : memref<80x144xf32, #tpu.memory_space<vmem>>, vector<1x16xf32>,
      %get3A_138 = vector.shape_cast %get3A_137 : vector<1x16xf32> to vector<16xf32>
      %mul3A_139 = arith.mulf %get3A_138, %gather3A_114 : vector<16xf32>
      %swap3A_140 = arith.index_cast %scan3A_34 : i32 to index
      %swap3A_141 = arith.constant 96 : index
      %swap3A_142 = tpu.vector_load %arg12[%swap3A_140, %swap3A_141] {strides = array<i32>} : memref<80x144xf32, #tpu.memory_space<vmem>>, vector<1x16xf32>,
      %swap3A_143 = vector.shape_cast %swap3A_142 : vector<1x16xf32> to vector<16xf32>
      %swap3A_144 = vector.shape_cast %mul3A_139 : vector<16xf32> to vector<1x16xf32>
      tpu.vector_store %arg12[%swap3A_140, %swap3A_141], %swap3A_144 {strides = array<i32>} : memref<80x144xf32, #tpu.memory_space<vmem>>, vector<1x16xf32>,
      %get3A_145 = arith.index_cast %scan3A_34 : i32 to index
      %get3A_146 = arith.constant 112 : index
      %get3A_147 = tpu.vector_load %arg12[%get3A_145, %get3A_146] {strides = array<i32>} : memref<80x144xf32, #tpu.memory_space<vmem>>, vector<1x16xf32>,
      %get3A_148 = vector.shape_cast %get3A_147 : vector<1x16xf32> to vector<16xf32>
      %mul3A_149 = arith.mulf %get3A_148, %gather3A_114 : vector<16xf32>
      %swap3A_150 = arith.index_cast %scan3A_34 : i32 to index
      %swap3A_151 = arith.constant 112 : index
      %swap3A_152 = tpu.vector_load %arg12[%swap3A_150, %swap3A_151] {strides = array<i32>} : memref<80x144xf32, #tpu.memory_space<vmem>>, vector<1x16xf32>,
      %swap3A_153 = vector.shape_cast %swap3A_152 : vector<1x16xf32> to vector<16xf32>
      %swap3A_154 = vector.shape_cast %mul3A_149 : vector<16xf32> to vector<1x16xf32>
      tpu.vector_store %arg12[%swap3A_150, %swap3A_151], %swap3A_154 {strides = array<i32>} : memref<80x144xf32, #tpu.memory_space<vmem>>, vector<1x16xf32>,
    }
    %scan3A_29 = arith.constant 80 : i32
    "tpu.region"() ({
      %run_scoped3A = tpu.sem_alloc : memref<!tpu.dma_semaphore, #tpu.memory_space<semaphore_mem>>
      %dma_start3A_34 = arith.constant 0 : i32
      %dma_start3A_35 = arith.constant 0 : i32
      %dma_start3A_36 = tpu.memref_slice %arg16[%dma_start3A_34, %dma_start3A_35] : memref<10240x144xf32, #tpu.memory_space<vmem_shared>> -> memref<10240x144xf32, #tpu.memory_space<vmem_shared>>
      tpu.enqueue_indirect_dma source(%arg12 : memref<80x144xf32, #tpu.memory_space<vmem>>) target(%dma_start3A_36 : memref<10240x144xf32, #tpu.memory_space<vmem_shared>>) offsets(%arg9 : memref<80xi32, #tpu.memory_space<vmem>>) semaphore(%run_scoped3A : memref<!tpu.dma_semaphore, #tpu.memory_space<semaphore_mem>>) {add = true}
      %dma_wait3A_37 = arith.constant 0 : i32
      %dma_wait3A_38 = arith.constant 0 : i32
      %dma_wait3A_39 = tpu.memref_slice %arg16[%dma_wait3A_37, %dma_wait3A_38] : memref<10240x144xf32, #tpu.memory_space<vmem_shared>> -> memref<10240x144xf32, #tpu.memory_space<vmem_shared>>
      tpu.wait_indirect_dma semaphore(%run_scoped3A : memref<!tpu.dma_semaphore, #tpu.memory_space<semaphore_mem>>) src(%arg12 : memref<80x144xf32, #tpu.memory_space<vmem>>) dst(%dma_wait3A_39 : memref<10240x144xf32, #tpu.memory_space<vmem_shared>>)
      tpu.yield
    }) : () -> ()
    %barrier3A_30 = arith.constant 0 : index
    tpu.barrier barrier_id(%barrier3A_30)
    %mul3A_31 = arith.constant 10240 : i32
    %mul3A_32 = arith.muli %arg0, %mul3A_31 : i32
    %add3A_33 = arith.addi %mul3A_32, %mul3A_0 : i32
    "tpu.region"() ({
      %run_scoped3A = tpu.sem_alloc : memref<!tpu.dma_semaphore, #tpu.memory_space<semaphore_mem>>
      %dma_start3A_34 = arith.constant 0 : i32
      %dma_start3A_35 = tpu.memref_slice %arg7[%add3A_33, %dma_start3A_34] : memref<20480x144xf32, #tpu.memory_space<hbm>> -> memref<640x144xf32, #tpu.memory_space<hbm>>
      %dma_start3A_36 = arith.constant 0 : i32
      %dma_start3A_37 = tpu.memref_slice %arg16[%mul3A_0, %dma_start3A_36] : memref<10240x144xf32, #tpu.memory_space<vmem_shared>> -> memref<640x144xf32, #tpu.memory_space<vmem_shared>>
      tpu.enqueue_dma source(%dma_start3A_37 : memref<640x144xf32, #tpu.memory_space<vmem_shared>>) target(%dma_start3A_35 : memref<640x144xf32, #tpu.memory_space<hbm>>) target_semaphore(%run_scoped3A : memref<!tpu.dma_semaphore, #tpu.memory_space<semaphore_mem>>)
      %dma_wait3A_38 = arith.constant 0 : i32
      %dma_wait3A_39 = tpu.memref_slice %arg7[%add3A_33, %dma_wait3A_38] : memref<20480x144xf32, #tpu.memory_space<hbm>> -> memref<640x144xf32, #tpu.memory_space<hbm>>
      %dma_wait3A_40 = arith.constant 0 : i32
      %dma_wait3A_41 = tpu.memref_slice %arg16[%mul3A_0, %dma_wait3A_40] : memref<10240x144xf32, #tpu.memory_space<vmem_shared>> -> memref<640x144xf32, #tpu.memory_space<vmem_shared>>
      tpu.wait_dma2 semaphore(%run_scoped3A : memref<!tpu.dma_semaphore, #tpu.memory_space<semaphore_mem>>) src(%dma_wait3A_41 : memref<640x144xf32, #tpu.memory_space<vmem_shared>>) dst(%dma_wait3A_39 : memref<640x144xf32, #tpu.memory_space<hbm>>)
      tpu.yield
    }) : () -> ()
    return
  }
}

#map = affine_map<(d0, d1) -> (0, 0)>
module attributes {stable_mosaic.version = 14 : i64} {
  func.func @edge_pass(%arg0: i32, %arg1: i32, %arg2: memref<10000x80xf32, #tpu.memory_space<hbm>>, %arg3: memref<10000x16xf32, #tpu.memory_space<hbm>>, %arg4: memref<4000x80xi32, #tpu.memory_space<hbm>>, %arg5: memref<4000x80xi32, #tpu.memory_space<hbm>>, %arg6: memref<10240x80xf32, #tpu.memory_space<hbm>>, %arg7: memref<20480x80xf32, #tpu.memory_space<hbm>>, %arg8: memref<80xi32, #tpu.memory_space<vmem>>, %arg9: memref<80xi32, #tpu.memory_space<vmem>>, %arg10: memref<80xi32, #tpu.memory_space<vmem>>, %arg11: memref<80xi32, #tpu.memory_space<vmem>>, %arg12: memref<80x80xf32, #tpu.memory_space<vmem>>, %arg13: memref<80x80xf32, #tpu.memory_space<vmem>>, %arg14: memref<80x16xf32, #tpu.memory_space<vmem>>, %arg15: memref<80x16xf32, #tpu.memory_space<vmem>>, %arg16: memref<10240x80xf32, #tpu.memory_space<vmem_shared>>, %arg17: memref<!tpu.dma_semaphore, #tpu.memory_space<semaphore_mem>>, %arg18: memref<!tpu.dma_semaphore, #tpu.memory_space<semaphore_mem>>, %arg19: memref<!tpu.dma_semaphore, #tpu.memory_space<semaphore_mem>>, %arg20: memref<!tpu.dma_semaphore, #tpu.memory_space<semaphore_mem>>) attributes {dimension_semantics = [#tpu.dimension_semantics<core_parallel>, #tpu.dimension_semantics<subcore_parallel>], iteration_bounds = array<i64: 2, 16>, scalar_prefetch = 0 : i64, scratch_operands = 13 : i64, tpu.core_type = #tpu.core_type<sc_vector_subcore>, window_params = [{transform_indices = #map}, {transform_indices = #map}, {transform_indices = #map}, {transform_indices = #map}, {transform_indices = #map}, {transform_indices = #map}]} {
    %mul3A = arith.constant 640 : i32
    %mul3A_0 = arith.muli %arg1, %mul3A : i32
    "tpu.region"() ({
      %run_scoped3A = tpu.sem_alloc : memref<!tpu.dma_semaphore, #tpu.memory_space<semaphore_mem>>
      %dma_start3A_34 = arith.constant 0 : i32
      %dma_start3A_35 = tpu.memref_slice %arg16[%mul3A_0, %dma_start3A_34] : memref<10240x80xf32, #tpu.memory_space<vmem_shared>> -> memref<640x80xf32, #tpu.memory_space<vmem_shared>>
      %dma_start3A_36 = arith.constant 0 : i32
      %dma_start3A_37 = tpu.memref_slice %arg6[%mul3A_0, %dma_start3A_36] : memref<10240x80xf32, #tpu.memory_space<hbm>> -> memref<640x80xf32, #tpu.memory_space<hbm>>
      tpu.enqueue_dma source(%dma_start3A_37 : memref<640x80xf32, #tpu.memory_space<hbm>>) target(%dma_start3A_35 : memref<640x80xf32, #tpu.memory_space<vmem_shared>>) target_semaphore(%run_scoped3A : memref<!tpu.dma_semaphore, #tpu.memory_space<semaphore_mem>>)
      %dma_wait3A_38 = arith.constant 0 : i32
      %dma_wait3A_39 = tpu.memref_slice %arg16[%mul3A_0, %dma_wait3A_38] : memref<10240x80xf32, #tpu.memory_space<vmem_shared>> -> memref<640x80xf32, #tpu.memory_space<vmem_shared>>
      %dma_wait3A_40 = arith.constant 0 : i32
      %dma_wait3A_41 = tpu.memref_slice %arg6[%mul3A_0, %dma_wait3A_40] : memref<10240x80xf32, #tpu.memory_space<hbm>> -> memref<640x80xf32, #tpu.memory_space<hbm>>
      tpu.wait_dma2 semaphore(%run_scoped3A : memref<!tpu.dma_semaphore, #tpu.memory_space<semaphore_mem>>) src(%dma_wait3A_41 : memref<640x80xf32, #tpu.memory_space<hbm>>) dst(%dma_wait3A_39 : memref<640x80xf32, #tpu.memory_space<vmem_shared>>)
      tpu.yield
    }) : () -> ()
    %barrier3A = arith.constant 0 : index
    tpu.barrier barrier_id(%barrier3A)
    %mul3A_1 = arith.constant 16 : i32
    %mul3A_2 = arith.muli %arg0, %mul3A_1 : i32
    %add3A = arith.addi %mul3A_2, %arg1 : i32
    %mul3A_3 = arith.constant 125 : i32
    %mul3A_4 = arith.muli %add3A, %mul3A_3 : i32
    %add3A_5 = arith.constant 0 : i32
    %add3A_6 = arith.addi %add3A_5, %mul3A_4 : i32
    "tpu.region"() ({
      %run_scoped3A = tpu.sem_alloc : memref<!tpu.dma_semaphore, #tpu.memory_space<semaphore_mem>>
      %dma_start3A_34 = arith.constant 0 : i32
      %dma_start3A_35 = tpu.memref_slice %arg4[%add3A_6, %dma_start3A_34] : memref<4000x80xi32, #tpu.memory_space<hbm>> -> memref<1x80xi32, #tpu.memory_space<hbm>>
      %dma_start3A_36 = tpu.memref_squeeze %dma_start3A_35 : memref<1x80xi32, #tpu.memory_space<hbm>> -> memref<80xi32, #tpu.memory_space<hbm>>
      %dma_start3A_37 = arith.constant 0 : i32
      %dma_start3A_38 = tpu.memref_slice %arg4[%add3A_6, %dma_start3A_37] : memref<4000x80xi32, #tpu.memory_space<hbm>> -> memref<1x80xi32, #tpu.memory_space<hbm>>
      %dma_start3A_39 = tpu.memref_squeeze %dma_start3A_38 : memref<1x80xi32, #tpu.memory_space<hbm>> -> memref<80xi32, #tpu.memory_space<hbm>>
      tpu.enqueue_dma source(%dma_start3A_39 : memref<80xi32, #tpu.memory_space<hbm>>) target(%arg8 : memref<80xi32, #tpu.memory_space<vmem>>) target_semaphore(%run_scoped3A : memref<!tpu.dma_semaphore, #tpu.memory_space<semaphore_mem>>)
      %dma_wait3A_40 = arith.constant 0 : i32
      %dma_wait3A_41 = tpu.memref_slice %arg4[%add3A_6, %dma_wait3A_40] : memref<4000x80xi32, #tpu.memory_space<hbm>> -> memref<1x80xi32, #tpu.memory_space<hbm>>
      %dma_wait3A_42 = tpu.memref_squeeze %dma_wait3A_41 : memref<1x80xi32, #tpu.memory_space<hbm>> -> memref<80xi32, #tpu.memory_space<hbm>>
      %dma_wait3A_43 = arith.constant 0 : i32
      %dma_wait3A_44 = tpu.memref_slice %arg4[%add3A_6, %dma_wait3A_43] : memref<4000x80xi32, #tpu.memory_space<hbm>> -> memref<1x80xi32, #tpu.memory_space<hbm>>
      %dma_wait3A_45 = tpu.memref_squeeze %dma_wait3A_44 : memref<1x80xi32, #tpu.memory_space<hbm>> -> memref<80xi32, #tpu.memory_space<hbm>>
      tpu.wait_dma2 semaphore(%run_scoped3A : memref<!tpu.dma_semaphore, #tpu.memory_space<semaphore_mem>>) src(%dma_wait3A_45 : memref<80xi32, #tpu.memory_space<hbm>>) dst(%arg8 : memref<80xi32, #tpu.memory_space<vmem>>)
      tpu.yield
    }) : () -> ()
    %add3A_7 = arith.constant 0 : i32
    %add3A_8 = arith.addi %add3A_7, %mul3A_4 : i32
    "tpu.region"() ({
      %run_scoped3A = tpu.sem_alloc : memref<!tpu.dma_semaphore, #tpu.memory_space<semaphore_mem>>
      %dma_start3A_34 = arith.constant 0 : i32
      %dma_start3A_35 = tpu.memref_slice %arg5[%add3A_8, %dma_start3A_34] : memref<4000x80xi32, #tpu.memory_space<hbm>> -> memref<1x80xi32, #tpu.memory_space<hbm>>
      %dma_start3A_36 = tpu.memref_squeeze %dma_start3A_35 : memref<1x80xi32, #tpu.memory_space<hbm>> -> memref<80xi32, #tpu.memory_space<hbm>>
      %dma_start3A_37 = arith.constant 0 : i32
      %dma_start3A_38 = tpu.memref_slice %arg5[%add3A_8, %dma_start3A_37] : memref<4000x80xi32, #tpu.memory_space<hbm>> -> memref<1x80xi32, #tpu.memory_space<hbm>>
      %dma_start3A_39 = tpu.memref_squeeze %dma_start3A_38 : memref<1x80xi32, #tpu.memory_space<hbm>> -> memref<80xi32, #tpu.memory_space<hbm>>
      tpu.enqueue_dma source(%dma_start3A_39 : memref<80xi32, #tpu.memory_space<hbm>>) target(%arg9 : memref<80xi32, #tpu.memory_space<vmem>>) target_semaphore(%run_scoped3A : memref<!tpu.dma_semaphore, #tpu.memory_space<semaphore_mem>>)
      %dma_wait3A_40 = arith.constant 0 : i32
      %dma_wait3A_41 = tpu.memref_slice %arg5[%add3A_8, %dma_wait3A_40] : memref<4000x80xi32, #tpu.memory_space<hbm>> -> memref<1x80xi32, #tpu.memory_space<hbm>>
      %dma_wait3A_42 = tpu.memref_squeeze %dma_wait3A_41 : memref<1x80xi32, #tpu.memory_space<hbm>> -> memref<80xi32, #tpu.memory_space<hbm>>
      %dma_wait3A_43 = arith.constant 0 : i32
      %dma_wait3A_44 = tpu.memref_slice %arg5[%add3A_8, %dma_wait3A_43] : memref<4000x80xi32, #tpu.memory_space<hbm>> -> memref<1x80xi32, #tpu.memory_space<hbm>>
      %dma_wait3A_45 = tpu.memref_squeeze %dma_wait3A_44 : memref<1x80xi32, #tpu.memory_space<hbm>> -> memref<80xi32, #tpu.memory_space<hbm>>
      tpu.wait_dma2 semaphore(%run_scoped3A : memref<!tpu.dma_semaphore, #tpu.memory_space<semaphore_mem>>) src(%dma_wait3A_45 : memref<80xi32, #tpu.memory_space<hbm>>) dst(%arg9 : memref<80xi32, #tpu.memory_space<vmem>>)
      tpu.yield
    }) : () -> ()
    %dma_start3A = arith.constant 0 : i32
    %dma_start3A_9 = arith.constant 0 : i32
    %dma_start3A_10 = tpu.memref_slice %arg2[%dma_start3A, %dma_start3A_9] : memref<10000x80xf32, #tpu.memory_space<hbm>> -> memref<10000x80xf32, #tpu.memory_space<hbm>>
    tpu.enqueue_indirect_dma source(%dma_start3A_10 : memref<10000x80xf32, #tpu.memory_space<hbm>>) target(%arg12 : memref<80x80xf32, #tpu.memory_space<vmem>>) offsets(%arg8 : memref<80xi32, #tpu.memory_space<vmem>>) semaphore(%arg17 : memref<!tpu.dma_semaphore, #tpu.memory_space<semaphore_mem>>)
    %dma_start3A_11 = arith.constant 0 : i32
    %dma_start3A_12 = arith.constant 0 : i32
    %dma_start3A_13 = tpu.memref_slice %arg3[%dma_start3A_11, %dma_start3A_12] : memref<10000x16xf32, #tpu.memory_space<hbm>> -> memref<10000x16xf32, #tpu.memory_space<hbm>>
    tpu.enqueue_indirect_dma source(%dma_start3A_13 : memref<10000x16xf32, #tpu.memory_space<hbm>>) target(%arg14 : memref<80x16xf32, #tpu.memory_space<vmem>>) offsets(%arg9 : memref<80xi32, #tpu.memory_space<vmem>>) semaphore(%arg18 : memref<!tpu.dma_semaphore, #tpu.memory_space<semaphore_mem>>)
    %scan3A = arith.constant 0 : i32
    %scan3A_14 = arith.constant 0 : i32
    %scan3A_15 = arith.constant 62 : i32
    %scan3A_16 = arith.addi %scan3A_14, %scan3A_15 : i32
    %scan3A_17 = arith.constant 1 : i32
    scf.for %scan3A_34 = %scan3A_14 to %scan3A_16 step %scan3A_17  : i32 {
      %mul3A_35 = arith.constant 2 : i32
      %mul3A_36 = arith.muli %mul3A_35, %scan3A_34 : i32
      %add3A_37 = arith.constant 1 : i32
      %add3A_38 = arith.addi %mul3A_36, %add3A_37 : i32
      %add3A_39 = arith.addi %add3A_38, %mul3A_4 : i32
      "tpu.region"() ({
        %run_scoped3A = tpu.sem_alloc : memref<!tpu.dma_semaphore, #tpu.memory_space<semaphore_mem>>
        %dma_start3A_85 = arith.constant 0 : i32
        %dma_start3A_86 = tpu.memref_slice %arg4[%add3A_39, %dma_start3A_85] : memref<4000x80xi32, #tpu.memory_space<hbm>> -> memref<1x80xi32, #tpu.memory_space<hbm>>
        %dma_start3A_87 = tpu.memref_squeeze %dma_start3A_86 : memref<1x80xi32, #tpu.memory_space<hbm>> -> memref<80xi32, #tpu.memory_space<hbm>>
        %dma_start3A_88 = arith.constant 0 : i32
        %dma_start3A_89 = tpu.memref_slice %arg4[%add3A_39, %dma_start3A_88] : memref<4000x80xi32, #tpu.memory_space<hbm>> -> memref<1x80xi32, #tpu.memory_space<hbm>>
        %dma_start3A_90 = tpu.memref_squeeze %dma_start3A_89 : memref<1x80xi32, #tpu.memory_space<hbm>> -> memref<80xi32, #tpu.memory_space<hbm>>
        tpu.enqueue_dma source(%dma_start3A_90 : memref<80xi32, #tpu.memory_space<hbm>>) target(%arg10 : memref<80xi32, #tpu.memory_space<vmem>>) target_semaphore(%run_scoped3A : memref<!tpu.dma_semaphore, #tpu.memory_space<semaphore_mem>>)
        %dma_wait3A_91 = arith.constant 0 : i32
        %dma_wait3A_92 = tpu.memref_slice %arg4[%add3A_39, %dma_wait3A_91] : memref<4000x80xi32, #tpu.memory_space<hbm>> -> memref<1x80xi32, #tpu.memory_space<hbm>>
        %dma_wait3A_93 = tpu.memref_squeeze %dma_wait3A_92 : memref<1x80xi32, #tpu.memory_space<hbm>> -> memref<80xi32, #tpu.memory_space<hbm>>
        %dma_wait3A_94 = arith.constant 0 : i32
        %dma_wait3A_95 = tpu.memref_slice %arg4[%add3A_39, %dma_wait3A_94] : memref<4000x80xi32, #tpu.memory_space<hbm>> -> memref<1x80xi32, #tpu.memory_space<hbm>>
        %dma_wait3A_96 = tpu.memref_squeeze %dma_wait3A_95 : memref<1x80xi32, #tpu.memory_space<hbm>> -> memref<80xi32, #tpu.memory_space<hbm>>
        tpu.wait_dma2 semaphore(%run_scoped3A : memref<!tpu.dma_semaphore, #tpu.memory_space<semaphore_mem>>) src(%dma_wait3A_96 : memref<80xi32, #tpu.memory_space<hbm>>) dst(%arg10 : memref<80xi32, #tpu.memory_space<vmem>>)
        tpu.yield
      }) : () -> ()
      %add3A_40 = arith.addi %add3A_38, %mul3A_4 : i32
      "tpu.region"() ({
        %run_scoped3A = tpu.sem_alloc : memref<!tpu.dma_semaphore, #tpu.memory_space<semaphore_mem>>
        %dma_start3A_85 = arith.constant 0 : i32
        %dma_start3A_86 = tpu.memref_slice %arg5[%add3A_40, %dma_start3A_85] : memref<4000x80xi32, #tpu.memory_space<hbm>> -> memref<1x80xi32, #tpu.memory_space<hbm>>
        %dma_start3A_87 = tpu.memref_squeeze %dma_start3A_86 : memref<1x80xi32, #tpu.memory_space<hbm>> -> memref<80xi32, #tpu.memory_space<hbm>>
        %dma_start3A_88 = arith.constant 0 : i32
        %dma_start3A_89 = tpu.memref_slice %arg5[%add3A_40, %dma_start3A_88] : memref<4000x80xi32, #tpu.memory_space<hbm>> -> memref<1x80xi32, #tpu.memory_space<hbm>>
        %dma_start3A_90 = tpu.memref_squeeze %dma_start3A_89 : memref<1x80xi32, #tpu.memory_space<hbm>> -> memref<80xi32, #tpu.memory_space<hbm>>
        tpu.enqueue_dma source(%dma_start3A_90 : memref<80xi32, #tpu.memory_space<hbm>>) target(%arg11 : memref<80xi32, #tpu.memory_space<vmem>>) target_semaphore(%run_scoped3A : memref<!tpu.dma_semaphore, #tpu.memory_space<semaphore_mem>>)
        %dma_wait3A_91 = arith.constant 0 : i32
        %dma_wait3A_92 = tpu.memref_slice %arg5[%add3A_40, %dma_wait3A_91] : memref<4000x80xi32, #tpu.memory_space<hbm>> -> memref<1x80xi32, #tpu.memory_space<hbm>>
        %dma_wait3A_93 = tpu.memref_squeeze %dma_wait3A_92 : memref<1x80xi32, #tpu.memory_space<hbm>> -> memref<80xi32, #tpu.memory_space<hbm>>
        %dma_wait3A_94 = arith.constant 0 : i32
        %dma_wait3A_95 = tpu.memref_slice %arg5[%add3A_40, %dma_wait3A_94] : memref<4000x80xi32, #tpu.memory_space<hbm>> -> memref<1x80xi32, #tpu.memory_space<hbm>>
        %dma_wait3A_96 = tpu.memref_squeeze %dma_wait3A_95 : memref<1x80xi32, #tpu.memory_space<hbm>> -> memref<80xi32, #tpu.memory_space<hbm>>
        tpu.wait_dma2 semaphore(%run_scoped3A : memref<!tpu.dma_semaphore, #tpu.memory_space<semaphore_mem>>) src(%dma_wait3A_96 : memref<80xi32, #tpu.memory_space<hbm>>) dst(%arg11 : memref<80xi32, #tpu.memory_space<vmem>>)
        tpu.yield
      }) : () -> ()
      %dma_start3A_41 = arith.constant 0 : i32
      %dma_start3A_42 = arith.constant 0 : i32
      %dma_start3A_43 = tpu.memref_slice %arg2[%dma_start3A_41, %dma_start3A_42] : memref<10000x80xf32, #tpu.memory_space<hbm>> -> memref<10000x80xf32, #tpu.memory_space<hbm>>
      tpu.enqueue_indirect_dma source(%dma_start3A_43 : memref<10000x80xf32, #tpu.memory_space<hbm>>) target(%arg13 : memref<80x80xf32, #tpu.memory_space<vmem>>) offsets(%arg10 : memref<80xi32, #tpu.memory_space<vmem>>) semaphore(%arg19 : memref<!tpu.dma_semaphore, #tpu.memory_space<semaphore_mem>>)
      %dma_start3A_44 = arith.constant 0 : i32
      %dma_start3A_45 = arith.constant 0 : i32
      %dma_start3A_46 = tpu.memref_slice %arg3[%dma_start3A_44, %dma_start3A_45] : memref<10000x16xf32, #tpu.memory_space<hbm>> -> memref<10000x16xf32, #tpu.memory_space<hbm>>
      tpu.enqueue_indirect_dma source(%dma_start3A_46 : memref<10000x16xf32, #tpu.memory_space<hbm>>) target(%arg15 : memref<80x16xf32, #tpu.memory_space<vmem>>) offsets(%arg11 : memref<80xi32, #tpu.memory_space<vmem>>) semaphore(%arg20 : memref<!tpu.dma_semaphore, #tpu.memory_space<semaphore_mem>>)
      %dma_wait3A_47 = arith.constant 0 : i32
      %dma_wait3A_48 = arith.constant 0 : i32
      %dma_wait3A_49 = tpu.memref_slice %arg2[%dma_wait3A_47, %dma_wait3A_48] : memref<10000x80xf32, #tpu.memory_space<hbm>> -> memref<10000x80xf32, #tpu.memory_space<hbm>>
      tpu.wait_indirect_dma semaphore(%arg17 : memref<!tpu.dma_semaphore, #tpu.memory_space<semaphore_mem>>) src(%dma_wait3A_49 : memref<10000x80xf32, #tpu.memory_space<hbm>>) dst(%arg12 : memref<80x80xf32, #tpu.memory_space<vmem>>)
      %dma_wait3A_50 = arith.constant 0 : i32
      %dma_wait3A_51 = arith.constant 0 : i32
      %dma_wait3A_52 = tpu.memref_slice %arg3[%dma_wait3A_50, %dma_wait3A_51] : memref<10000x16xf32, #tpu.memory_space<hbm>> -> memref<10000x16xf32, #tpu.memory_space<hbm>>
      tpu.wait_indirect_dma semaphore(%arg18 : memref<!tpu.dma_semaphore, #tpu.memory_space<semaphore_mem>>) src(%dma_wait3A_52 : memref<10000x16xf32, #tpu.memory_space<hbm>>) dst(%arg14 : memref<80x16xf32, #tpu.memory_space<vmem>>)
      %scan3A_53 = arith.constant 0 : i32
      %scan3A_54 = arith.constant 0 : i32
      %scan3A_55 = arith.constant 80 : i32
      %scan3A_56 = arith.addi %scan3A_54, %scan3A_55 : i32
      %scan3A_57 = arith.constant 1 : i32
      scf.for %scan3A_85 = %scan3A_54 to %scan3A_56 step %scan3A_57  : i32 {
        %get3A = arith.index_cast %scan3A_85 : i32 to index
        %get3A_86 = arith.constant 64 : index
        %get3A_87 = tpu.vector_load %arg12[%get3A, %get3A_86] {strides = array<i32>} : memref<80x80xf32, #tpu.memory_space<vmem>>, vector<1x16xf32>,
        %get3A_88 = vector.shape_cast %get3A_87 : vector<1x16xf32> to vector<16xf32>
        %get3A_89 = arith.index_cast %scan3A_85 : i32 to index
        %get3A_90 = arith.constant 0 : index
        %get3A_91 = tpu.vector_load %arg14[%get3A_89, %get3A_90] {strides = array<i32>} : memref<80x16xf32, #tpu.memory_space<vmem>>, vector<1x16xf32>,
        %get3A_92 = vector.shape_cast %get3A_91 : vector<1x16xf32> to vector<16xf32>
        %add3A_93 = arith.addf %get3A_88, %get3A_92 : vector<16xf32>
        %mul3A_94 = arith.constant 2.000000e-01 : f32
        %mul3A_95 = vector.broadcast %mul3A_94 : f32 to vector<16xf32>
        %mul3A_96 = arith.mulf %add3A_93, %mul3A_95 : vector<16xf32>
        %max3A = arith.maximumf %add3A_93, %mul3A_96 : vector<16xf32>
        %exp3A = math.exp %max3A : vector<16xf32>
        %iota3A = tpu.iota {dimensions = array<i32: 0>} : vector<16xi32>
        %lt3A = arith.constant 1 : i32
        %lt3A_97 = vector.broadcast %lt3A : i32 to vector<16xi32>
        %lt3A_98 = arith.cmpi slt, %iota3A, %lt3A_97 : vector<16xi32>
        %jit3A = arith.constant 0.000000e+00 : f32
        %broadcast_in_dim3A = vector.broadcast %jit3A : f32 to vector<16xf32>
        %select_n3A = arith.select %lt3A_98, %exp3A, %broadcast_in_dim3A : vector<16xi1>, vector<16xf32>
        %swap3A = arith.index_cast %scan3A_85 : i32 to index
        %swap3A_99 = arith.constant 64 : index
        %swap3A_100 = tpu.vector_load %arg12[%swap3A, %swap3A_99] {strides = array<i32>} : memref<80x80xf32, #tpu.memory_space<vmem>>, vector<1x16xf32>,
        %swap3A_101 = vector.shape_cast %swap3A_100 : vector<1x16xf32> to vector<16xf32>
        %swap3A_102 = vector.shape_cast %select_n3A : vector<16xf32> to vector<1x16xf32>
        tpu.vector_store %arg12[%swap3A, %swap3A_99], %swap3A_102 {strides = array<i32>} : memref<80x80xf32, #tpu.memory_space<vmem>>, vector<1x16xf32>,
        %broadcast_in_dim3A_103 = arith.constant 0 : i32
        %broadcast_in_dim3A_104 = vector.broadcast %broadcast_in_dim3A_103 : i32 to vector<16xi32>
        %lt3A_105 = arith.constant 0 : i32
        %lt3A_106 = vector.broadcast %lt3A_105 : i32 to vector<16xi32>
        %lt3A_107 = arith.cmpi slt, %broadcast_in_dim3A_104, %lt3A_106 : vector<16xi32>
        %add3A_108 = arith.constant 16 : i32
        %add3A_109 = vector.broadcast %add3A_108 : i32 to vector<16xi32>
        %add3A_110 = arith.addi %broadcast_in_dim3A_104, %add3A_109 : vector<16xi32>
        %select_n3A_111 = arith.select %lt3A_107, %add3A_110, %broadcast_in_dim3A_104 : vector<16xi1>, vector<16xi32>
        %broadcast_in_dim3A_112 = vector.shape_cast %select_n3A_111 : vector<16xi32> to vector<16x1xi32>
        %gather3A = vector.shape_cast %broadcast_in_dim3A_112 : vector<16x1xi32> to vector<16xi32>
        %gather3A_113 = tpu.dynamic_gather %exp3A[%gather3A] in [0] : vector<16xf32>, vector<16xi32> -> vector<16xf32>
        %get3A_114 = arith.index_cast %scan3A_85 : i32 to index
        %get3A_115 = arith.constant 0 : index
        %get3A_116 = tpu.vector_load %arg12[%get3A_114, %get3A_115] {strides = array<i32>} : memref<80x80xf32, #tpu.memory_space<vmem>>, vector<1x16xf32>,
        %get3A_117 = vector.shape_cast %get3A_116 : vector<1x16xf32> to vector<16xf32>
        %mul3A_118 = arith.mulf %get3A_117, %gather3A_113 : vector<16xf32>
        %swap3A_119 = arith.index_cast %scan3A_85 : i32 to index
        %swap3A_120 = arith.constant 0 : index
        %swap3A_121 = tpu.vector_load %arg12[%swap3A_119, %swap3A_120] {strides = array<i32>} : memref<80x80xf32, #tpu.memory_space<vmem>>, vector<1x16xf32>,
        %swap3A_122 = vector.shape_cast %swap3A_121 : vector<1x16xf32> to vector<16xf32>
        %swap3A_123 = vector.shape_cast %mul3A_118 : vector<16xf32> to vector<1x16xf32>
        tpu.vector_store %arg12[%swap3A_119, %swap3A_120], %swap3A_123 {strides = array<i32>} : memref<80x80xf32, #tpu.memory_space<vmem>>, vector<1x16xf32>,
        %get3A_124 = arith.index_cast %scan3A_85 : i32 to index
        %get3A_125 = arith.constant 16 : index
        %get3A_126 = tpu.vector_load %arg12[%get3A_124, %get3A_125] {strides = array<i32>} : memref<80x80xf32, #tpu.memory_space<vmem>>, vector<1x16xf32>,
        %get3A_127 = vector.shape_cast %get3A_126 : vector<1x16xf32> to vector<16xf32>
        %mul3A_128 = arith.mulf %get3A_127, %gather3A_113 : vector<16xf32>
        %swap3A_129 = arith.index_cast %scan3A_85 : i32 to index
        %swap3A_130 = arith.constant 16 : index
        %swap3A_131 = tpu.vector_load %arg12[%swap3A_129, %swap3A_130] {strides = array<i32>} : memref<80x80xf32, #tpu.memory_space<vmem>>, vector<1x16xf32>,
        %swap3A_132 = vector.shape_cast %swap3A_131 : vector<1x16xf32> to vector<16xf32>
        %swap3A_133 = vector.shape_cast %mul3A_128 : vector<16xf32> to vector<1x16xf32>
        tpu.vector_store %arg12[%swap3A_129, %swap3A_130], %swap3A_133 {strides = array<i32>} : memref<80x80xf32, #tpu.memory_space<vmem>>, vector<1x16xf32>,
        %get3A_134 = arith.index_cast %scan3A_85 : i32 to index
        %get3A_135 = arith.constant 32 : index
        %get3A_136 = tpu.vector_load %arg12[%get3A_134, %get3A_135] {strides = array<i32>} : memref<80x80xf32, #tpu.memory_space<vmem>>, vector<1x16xf32>,
        %get3A_137 = vector.shape_cast %get3A_136 : vector<1x16xf32> to vector<16xf32>
        %mul3A_138 = arith.mulf %get3A_137, %gather3A_113 : vector<16xf32>
        %swap3A_139 = arith.index_cast %scan3A_85 : i32 to index
        %swap3A_140 = arith.constant 32 : index
        %swap3A_141 = tpu.vector_load %arg12[%swap3A_139, %swap3A_140] {strides = array<i32>} : memref<80x80xf32, #tpu.memory_space<vmem>>, vector<1x16xf32>,
        %swap3A_142 = vector.shape_cast %swap3A_141 : vector<1x16xf32> to vector<16xf32>
        %swap3A_143 = vector.shape_cast %mul3A_138 : vector<16xf32> to vector<1x16xf32>
        tpu.vector_store %arg12[%swap3A_139, %swap3A_140], %swap3A_143 {strides = array<i32>} : memref<80x80xf32, #tpu.memory_space<vmem>>, vector<1x16xf32>,
        %get3A_144 = arith.index_cast %scan3A_85 : i32 to index
        %get3A_145 = arith.constant 48 : index
        %get3A_146 = tpu.vector_load %arg12[%get3A_144, %get3A_145] {strides = array<i32>} : memref<80x80xf32, #tpu.memory_space<vmem>>, vector<1x16xf32>,
        %get3A_147 = vector.shape_cast %get3A_146 : vector<1x16xf32> to vector<16xf32>
        %mul3A_148 = arith.mulf %get3A_147, %gather3A_113 : vector<16xf32>
        %swap3A_149 = arith.index_cast %scan3A_85 : i32 to index
        %swap3A_150 = arith.constant 48 : index
        %swap3A_151 = tpu.vector_load %arg12[%swap3A_149, %swap3A_150] {strides = array<i32>} : memref<80x80xf32, #tpu.memory_space<vmem>>, vector<1x16xf32>,
        %swap3A_152 = vector.shape_cast %swap3A_151 : vector<1x16xf32> to vector<16xf32>
        %swap3A_153 = vector.shape_cast %mul3A_148 : vector<16xf32> to vector<1x16xf32>
        tpu.vector_store %arg12[%swap3A_149, %swap3A_150], %swap3A_153 {strides = array<i32>} : memref<80x80xf32, #tpu.memory_space<vmem>>, vector<1x16xf32>,
      }
      %scan3A_58 = arith.constant 80 : i32
      "tpu.region"() ({
        %run_scoped3A = tpu.sem_alloc : memref<!tpu.dma_semaphore, #tpu.memory_space<semaphore_mem>>
        %dma_start3A_85 = arith.constant 0 : i32
        %dma_start3A_86 = arith.constant 0 : i32
        %dma_start3A_87 = tpu.memref_slice %arg16[%dma_start3A_85, %dma_start3A_86] : memref<10240x80xf32, #tpu.memory_space<vmem_shared>> -> memref<10240x80xf32, #tpu.memory_space<vmem_shared>>
        tpu.enqueue_indirect_dma source(%arg12 : memref<80x80xf32, #tpu.memory_space<vmem>>) target(%dma_start3A_87 : memref<10240x80xf32, #tpu.memory_space<vmem_shared>>) offsets(%arg9 : memref<80xi32, #tpu.memory_space<vmem>>) semaphore(%run_scoped3A : memref<!tpu.dma_semaphore, #tpu.memory_space<semaphore_mem>>) {add = true}
        %dma_wait3A_88 = arith.constant 0 : i32
        %dma_wait3A_89 = arith.constant 0 : i32
        %dma_wait3A_90 = tpu.memref_slice %arg16[%dma_wait3A_88, %dma_wait3A_89] : memref<10240x80xf32, #tpu.memory_space<vmem_shared>> -> memref<10240x80xf32, #tpu.memory_space<vmem_shared>>
        tpu.wait_indirect_dma semaphore(%run_scoped3A : memref<!tpu.dma_semaphore, #tpu.memory_space<semaphore_mem>>) src(%arg12 : memref<80x80xf32, #tpu.memory_space<vmem>>) dst(%dma_wait3A_90 : memref<10240x80xf32, #tpu.memory_space<vmem_shared>>)
        tpu.yield
      }) : () -> ()
      %add3A_59 = arith.constant 2 : i32
      %add3A_60 = arith.addi %mul3A_36, %add3A_59 : i32
      %add3A_61 = arith.addi %add3A_60, %mul3A_4 : i32
      "tpu.region"() ({
        %run_scoped3A = tpu.sem_alloc : memref<!tpu.dma_semaphore, #tpu.memory_space<semaphore_mem>>
        %dma_start3A_85 = arith.constant 0 : i32
        %dma_start3A_86 = tpu.memref_slice %arg4[%add3A_61, %dma_start3A_85] : memref<4000x80xi32, #tpu.memory_space<hbm>> -> memref<1x80xi32, #tpu.memory_space<hbm>>
        %dma_start3A_87 = tpu.memref_squeeze %dma_start3A_86 : memref<1x80xi32, #tpu.memory_space<hbm>> -> memref<80xi32, #tpu.memory_space<hbm>>
        %dma_start3A_88 = arith.constant 0 : i32
        %dma_start3A_89 = tpu.memref_slice %arg4[%add3A_61, %dma_start3A_88] : memref<4000x80xi32, #tpu.memory_space<hbm>> -> memref<1x80xi32, #tpu.memory_space<hbm>>
        %dma_start3A_90 = tpu.memref_squeeze %dma_start3A_89 : memref<1x80xi32, #tpu.memory_space<hbm>> -> memref<80xi32, #tpu.memory_space<hbm>>
        tpu.enqueue_dma source(%dma_start3A_90 : memref<80xi32, #tpu.memory_space<hbm>>) target(%arg8 : memref<80xi32, #tpu.memory_space<vmem>>) target_semaphore(%run_scoped3A : memref<!tpu.dma_semaphore, #tpu.memory_space<semaphore_mem>>)
        %dma_wait3A_91 = arith.constant 0 : i32
        %dma_wait3A_92 = tpu.memref_slice %arg4[%add3A_61, %dma_wait3A_91] : memref<4000x80xi32, #tpu.memory_space<hbm>> -> memref<1x80xi32, #tpu.memory_space<hbm>>
        %dma_wait3A_93 = tpu.memref_squeeze %dma_wait3A_92 : memref<1x80xi32, #tpu.memory_space<hbm>> -> memref<80xi32, #tpu.memory_space<hbm>>
        %dma_wait3A_94 = arith.constant 0 : i32
        %dma_wait3A_95 = tpu.memref_slice %arg4[%add3A_61, %dma_wait3A_94] : memref<4000x80xi32, #tpu.memory_space<hbm>> -> memref<1x80xi32, #tpu.memory_space<hbm>>
        %dma_wait3A_96 = tpu.memref_squeeze %dma_wait3A_95 : memref<1x80xi32, #tpu.memory_space<hbm>> -> memref<80xi32, #tpu.memory_space<hbm>>
        tpu.wait_dma2 semaphore(%run_scoped3A : memref<!tpu.dma_semaphore, #tpu.memory_space<semaphore_mem>>) src(%dma_wait3A_96 : memref<80xi32, #tpu.memory_space<hbm>>) dst(%arg8 : memref<80xi32, #tpu.memory_space<vmem>>)
        tpu.yield
      }) : () -> ()
      %add3A_62 = arith.addi %add3A_60, %mul3A_4 : i32
      "tpu.region"() ({
        %run_scoped3A = tpu.sem_alloc : memref<!tpu.dma_semaphore, #tpu.memory_space<semaphore_mem>>
        %dma_start3A_85 = arith.constant 0 : i32
        %dma_start3A_86 = tpu.memref_slice %arg5[%add3A_62, %dma_start3A_85] : memref<4000x80xi32, #tpu.memory_space<hbm>> -> memref<1x80xi32, #tpu.memory_space<hbm>>
        %dma_start3A_87 = tpu.memref_squeeze %dma_start3A_86 : memref<1x80xi32, #tpu.memory_space<hbm>> -> memref<80xi32, #tpu.memory_space<hbm>>
        %dma_start3A_88 = arith.constant 0 : i32
        %dma_start3A_89 = tpu.memref_slice %arg5[%add3A_62, %dma_start3A_88] : memref<4000x80xi32, #tpu.memory_space<hbm>> -> memref<1x80xi32, #tpu.memory_space<hbm>>
        %dma_start3A_90 = tpu.memref_squeeze %dma_start3A_89 : memref<1x80xi32, #tpu.memory_space<hbm>> -> memref<80xi32, #tpu.memory_space<hbm>>
        tpu.enqueue_dma source(%dma_start3A_90 : memref<80xi32, #tpu.memory_space<hbm>>) target(%arg9 : memref<80xi32, #tpu.memory_space<vmem>>) target_semaphore(%run_scoped3A : memref<!tpu.dma_semaphore, #tpu.memory_space<semaphore_mem>>)
        %dma_wait3A_91 = arith.constant 0 : i32
        %dma_wait3A_92 = tpu.memref_slice %arg5[%add3A_62, %dma_wait3A_91] : memref<4000x80xi32, #tpu.memory_space<hbm>> -> memref<1x80xi32, #tpu.memory_space<hbm>>
        %dma_wait3A_93 = tpu.memref_squeeze %dma_wait3A_92 : memref<1x80xi32, #tpu.memory_space<hbm>> -> memref<80xi32, #tpu.memory_space<hbm>>
        %dma_wait3A_94 = arith.constant 0 : i32
        %dma_wait3A_95 = tpu.memref_slice %arg5[%add3A_62, %dma_wait3A_94] : memref<4000x80xi32, #tpu.memory_space<hbm>> -> memref<1x80xi32, #tpu.memory_space<hbm>>
        %dma_wait3A_96 = tpu.memref_squeeze %dma_wait3A_95 : memref<1x80xi32, #tpu.memory_space<hbm>> -> memref<80xi32, #tpu.memory_space<hbm>>
        tpu.wait_dma2 semaphore(%run_scoped3A : memref<!tpu.dma_semaphore, #tpu.memory_space<semaphore_mem>>) src(%dma_wait3A_96 : memref<80xi32, #tpu.memory_space<hbm>>) dst(%arg9 : memref<80xi32, #tpu.memory_space<vmem>>)
        tpu.yield
      }) : () -> ()
      %dma_start3A_63 = arith.constant 0 : i32
      %dma_start3A_64 = arith.constant 0 : i32
      %dma_start3A_65 = tpu.memref_slice %arg2[%dma_start3A_63, %dma_start3A_64] : memref<10000x80xf32, #tpu.memory_space<hbm>> -> memref<10000x80xf32, #tpu.memory_space<hbm>>
      tpu.enqueue_indirect_dma source(%dma_start3A_65 : memref<10000x80xf32, #tpu.memory_space<hbm>>) target(%arg12 : memref<80x80xf32, #tpu.memory_space<vmem>>) offsets(%arg8 : memref<80xi32, #tpu.memory_space<vmem>>) semaphore(%arg17 : memref<!tpu.dma_semaphore, #tpu.memory_space<semaphore_mem>>)
      %dma_start3A_66 = arith.constant 0 : i32
      %dma_start3A_67 = arith.constant 0 : i32
      %dma_start3A_68 = tpu.memref_slice %arg3[%dma_start3A_66, %dma_start3A_67] : memref<10000x16xf32, #tpu.memory_space<hbm>> -> memref<10000x16xf32, #tpu.memory_space<hbm>>
      tpu.enqueue_indirect_dma source(%dma_start3A_68 : memref<10000x16xf32, #tpu.memory_space<hbm>>) target(%arg14 : memref<80x16xf32, #tpu.memory_space<vmem>>) offsets(%arg9 : memref<80xi32, #tpu.memory_space<vmem>>) semaphore(%arg18 : memref<!tpu.dma_semaphore, #tpu.memory_space<semaphore_mem>>)
      %add3A_69 = arith.constant 1 : i32
      %add3A_70 = arith.addi %mul3A_36, %add3A_69 : i32
      %dma_wait3A_71 = arith.constant 0 : i32
      %dma_wait3A_72 = arith.constant 0 : i32
      %dma_wait3A_73 = tpu.memref_slice %arg2[%dma_wait3A_71, %dma_wait3A_72] : memref<10000x80xf32, #tpu.memory_space<hbm>> -> memref<10000x80xf32, #tpu.memory_space<hbm>>
      tpu.wait_indirect_dma semaphore(%arg19 : memref<!tpu.dma_semaphore, #tpu.memory_space<semaphore_mem>>) src(%dma_wait3A_73 : memref<10000x80xf32, #tpu.memory_space<hbm>>) dst(%arg13 : memref<80x80xf32, #tpu.memory_space<vmem>>)
      %dma_wait3A_74 = arith.constant 0 : i32
      %dma_wait3A_75 = arith.constant 0 : i32
      %dma_wait3A_76 = tpu.memref_slice %arg3[%dma_wait3A_74, %dma_wait3A_75] : memref<10000x16xf32, #tpu.memory_space<hbm>> -> memref<10000x16xf32, #tpu.memory_space<hbm>>
      tpu.wait_indirect_dma semaphore(%arg20 : memref<!tpu.dma_semaphore, #tpu.memory_space<semaphore_mem>>) src(%dma_wait3A_76 : memref<10000x16xf32, #tpu.memory_space<hbm>>) dst(%arg15 : memref<80x16xf32, #tpu.memory_space<vmem>>)
      %add3A_77 = arith.constant 1 : i32
      %add3A_78 = arith.addi %mul3A_36, %add3A_77 : i32
      %scan3A_79 = arith.constant 0 : i32
      %scan3A_80 = arith.constant 0 : i32
      %scan3A_81 = arith.constant 80 : i32
      %scan3A_82 = arith.addi %scan3A_80, %scan3A_81 : i32
      %scan3A_83 = arith.constant 1 : i32
      scf.for %scan3A_85 = %scan3A_80 to %scan3A_82 step %scan3A_83  : i32 {
        %get3A = arith.index_cast %scan3A_85 : i32 to index
        %get3A_86 = arith.constant 64 : index
        %get3A_87 = tpu.vector_load %arg13[%get3A, %get3A_86] {strides = array<i32>} : memref<80x80xf32, #tpu.memory_space<vmem>>, vector<1x16xf32>,
        %get3A_88 = vector.shape_cast %get3A_87 : vector<1x16xf32> to vector<16xf32>
        %get3A_89 = arith.index_cast %scan3A_85 : i32 to index
        %get3A_90 = arith.constant 0 : index
        %get3A_91 = tpu.vector_load %arg15[%get3A_89, %get3A_90] {strides = array<i32>} : memref<80x16xf32, #tpu.memory_space<vmem>>, vector<1x16xf32>,
        %get3A_92 = vector.shape_cast %get3A_91 : vector<1x16xf32> to vector<16xf32>
        %add3A_93 = arith.addf %get3A_88, %get3A_92 : vector<16xf32>
        %mul3A_94 = arith.constant 2.000000e-01 : f32
        %mul3A_95 = vector.broadcast %mul3A_94 : f32 to vector<16xf32>
        %mul3A_96 = arith.mulf %add3A_93, %mul3A_95 : vector<16xf32>
        %max3A = arith.maximumf %add3A_93, %mul3A_96 : vector<16xf32>
        %exp3A = math.exp %max3A : vector<16xf32>
        %iota3A = tpu.iota {dimensions = array<i32: 0>} : vector<16xi32>
        %lt3A = arith.constant 1 : i32
        %lt3A_97 = vector.broadcast %lt3A : i32 to vector<16xi32>
        %lt3A_98 = arith.cmpi slt, %iota3A, %lt3A_97 : vector<16xi32>
        %jit3A = arith.constant 0.000000e+00 : f32
        %broadcast_in_dim3A = vector.broadcast %jit3A : f32 to vector<16xf32>
        %select_n3A = arith.select %lt3A_98, %exp3A, %broadcast_in_dim3A : vector<16xi1>, vector<16xf32>
        %swap3A = arith.index_cast %scan3A_85 : i32 to index
        %swap3A_99 = arith.constant 64 : index
        %swap3A_100 = tpu.vector_load %arg13[%swap3A, %swap3A_99] {strides = array<i32>} : memref<80x80xf32, #tpu.memory_space<vmem>>, vector<1x16xf32>,
        %swap3A_101 = vector.shape_cast %swap3A_100 : vector<1x16xf32> to vector<16xf32>
        %swap3A_102 = vector.shape_cast %select_n3A : vector<16xf32> to vector<1x16xf32>
        tpu.vector_store %arg13[%swap3A, %swap3A_99], %swap3A_102 {strides = array<i32>} : memref<80x80xf32, #tpu.memory_space<vmem>>, vector<1x16xf32>,
        %broadcast_in_dim3A_103 = arith.constant 0 : i32
        %broadcast_in_dim3A_104 = vector.broadcast %broadcast_in_dim3A_103 : i32 to vector<16xi32>
        %lt3A_105 = arith.constant 0 : i32
        %lt3A_106 = vector.broadcast %lt3A_105 : i32 to vector<16xi32>
        %lt3A_107 = arith.cmpi slt, %broadcast_in_dim3A_104, %lt3A_106 : vector<16xi32>
        %add3A_108 = arith.constant 16 : i32
        %add3A_109 = vector.broadcast %add3A_108 : i32 to vector<16xi32>
        %add3A_110 = arith.addi %broadcast_in_dim3A_104, %add3A_109 : vector<16xi32>
        %select_n3A_111 = arith.select %lt3A_107, %add3A_110, %broadcast_in_dim3A_104 : vector<16xi1>, vector<16xi32>
        %broadcast_in_dim3A_112 = vector.shape_cast %select_n3A_111 : vector<16xi32> to vector<16x1xi32>
        %gather3A = vector.shape_cast %broadcast_in_dim3A_112 : vector<16x1xi32> to vector<16xi32>
        %gather3A_113 = tpu.dynamic_gather %exp3A[%gather3A] in [0] : vector<16xf32>, vector<16xi32> -> vector<16xf32>
        %get3A_114 = arith.index_cast %scan3A_85 : i32 to index
        %get3A_115 = arith.constant 0 : index
        %get3A_116 = tpu.vector_load %arg13[%get3A_114, %get3A_115] {strides = array<i32>} : memref<80x80xf32, #tpu.memory_space<vmem>>, vector<1x16xf32>,
        %get3A_117 = vector.shape_cast %get3A_116 : vector<1x16xf32> to vector<16xf32>
        %mul3A_118 = arith.mulf %get3A_117, %gather3A_113 : vector<16xf32>
        %swap3A_119 = arith.index_cast %scan3A_85 : i32 to index
        %swap3A_120 = arith.constant 0 : index
        %swap3A_121 = tpu.vector_load %arg13[%swap3A_119, %swap3A_120] {strides = array<i32>} : memref<80x80xf32, #tpu.memory_space<vmem>>, vector<1x16xf32>,
        %swap3A_122 = vector.shape_cast %swap3A_121 : vector<1x16xf32> to vector<16xf32>
        %swap3A_123 = vector.shape_cast %mul3A_118 : vector<16xf32> to vector<1x16xf32>
        tpu.vector_store %arg13[%swap3A_119, %swap3A_120], %swap3A_123 {strides = array<i32>} : memref<80x80xf32, #tpu.memory_space<vmem>>, vector<1x16xf32>,
        %get3A_124 = arith.index_cast %scan3A_85 : i32 to index
        %get3A_125 = arith.constant 16 : index
        %get3A_126 = tpu.vector_load %arg13[%get3A_124, %get3A_125] {strides = array<i32>} : memref<80x80xf32, #tpu.memory_space<vmem>>, vector<1x16xf32>,
        %get3A_127 = vector.shape_cast %get3A_126 : vector<1x16xf32> to vector<16xf32>
        %mul3A_128 = arith.mulf %get3A_127, %gather3A_113 : vector<16xf32>
        %swap3A_129 = arith.index_cast %scan3A_85 : i32 to index
        %swap3A_130 = arith.constant 16 : index
        %swap3A_131 = tpu.vector_load %arg13[%swap3A_129, %swap3A_130] {strides = array<i32>} : memref<80x80xf32, #tpu.memory_space<vmem>>, vector<1x16xf32>,
        %swap3A_132 = vector.shape_cast %swap3A_131 : vector<1x16xf32> to vector<16xf32>
        %swap3A_133 = vector.shape_cast %mul3A_128 : vector<16xf32> to vector<1x16xf32>
        tpu.vector_store %arg13[%swap3A_129, %swap3A_130], %swap3A_133 {strides = array<i32>} : memref<80x80xf32, #tpu.memory_space<vmem>>, vector<1x16xf32>,
        %get3A_134 = arith.index_cast %scan3A_85 : i32 to index
        %get3A_135 = arith.constant 32 : index
        %get3A_136 = tpu.vector_load %arg13[%get3A_134, %get3A_135] {strides = array<i32>} : memref<80x80xf32, #tpu.memory_space<vmem>>, vector<1x16xf32>,
        %get3A_137 = vector.shape_cast %get3A_136 : vector<1x16xf32> to vector<16xf32>
        %mul3A_138 = arith.mulf %get3A_137, %gather3A_113 : vector<16xf32>
        %swap3A_139 = arith.index_cast %scan3A_85 : i32 to index
        %swap3A_140 = arith.constant 32 : index
        %swap3A_141 = tpu.vector_load %arg13[%swap3A_139, %swap3A_140] {strides = array<i32>} : memref<80x80xf32, #tpu.memory_space<vmem>>, vector<1x16xf32>,
        %swap3A_142 = vector.shape_cast %swap3A_141 : vector<1x16xf32> to vector<16xf32>
        %swap3A_143 = vector.shape_cast %mul3A_138 : vector<16xf32> to vector<1x16xf32>
        tpu.vector_store %arg13[%swap3A_139, %swap3A_140], %swap3A_143 {strides = array<i32>} : memref<80x80xf32, #tpu.memory_space<vmem>>, vector<1x16xf32>,
        %get3A_144 = arith.index_cast %scan3A_85 : i32 to index
        %get3A_145 = arith.constant 48 : index
        %get3A_146 = tpu.vector_load %arg13[%get3A_144, %get3A_145] {strides = array<i32>} : memref<80x80xf32, #tpu.memory_space<vmem>>, vector<1x16xf32>,
        %get3A_147 = vector.shape_cast %get3A_146 : vector<1x16xf32> to vector<16xf32>
        %mul3A_148 = arith.mulf %get3A_147, %gather3A_113 : vector<16xf32>
        %swap3A_149 = arith.index_cast %scan3A_85 : i32 to index
        %swap3A_150 = arith.constant 48 : index
        %swap3A_151 = tpu.vector_load %arg13[%swap3A_149, %swap3A_150] {strides = array<i32>} : memref<80x80xf32, #tpu.memory_space<vmem>>, vector<1x16xf32>,
        %swap3A_152 = vector.shape_cast %swap3A_151 : vector<1x16xf32> to vector<16xf32>
        %swap3A_153 = vector.shape_cast %mul3A_148 : vector<16xf32> to vector<1x16xf32>
        tpu.vector_store %arg13[%swap3A_149, %swap3A_150], %swap3A_153 {strides = array<i32>} : memref<80x80xf32, #tpu.memory_space<vmem>>, vector<1x16xf32>,
      }
      %scan3A_84 = arith.constant 80 : i32
      "tpu.region"() ({
        %run_scoped3A = tpu.sem_alloc : memref<!tpu.dma_semaphore, #tpu.memory_space<semaphore_mem>>
        %dma_start3A_85 = arith.constant 0 : i32
        %dma_start3A_86 = arith.constant 0 : i32
        %dma_start3A_87 = tpu.memref_slice %arg16[%dma_start3A_85, %dma_start3A_86] : memref<10240x80xf32, #tpu.memory_space<vmem_shared>> -> memref<10240x80xf32, #tpu.memory_space<vmem_shared>>
        tpu.enqueue_indirect_dma source(%arg13 : memref<80x80xf32, #tpu.memory_space<vmem>>) target(%dma_start3A_87 : memref<10240x80xf32, #tpu.memory_space<vmem_shared>>) offsets(%arg11 : memref<80xi32, #tpu.memory_space<vmem>>) semaphore(%run_scoped3A : memref<!tpu.dma_semaphore, #tpu.memory_space<semaphore_mem>>) {add = true}
        %dma_wait3A_88 = arith.constant 0 : i32
        %dma_wait3A_89 = arith.constant 0 : i32
        %dma_wait3A_90 = tpu.memref_slice %arg16[%dma_wait3A_88, %dma_wait3A_89] : memref<10240x80xf32, #tpu.memory_space<vmem_shared>> -> memref<10240x80xf32, #tpu.memory_space<vmem_shared>>
        tpu.wait_indirect_dma semaphore(%run_scoped3A : memref<!tpu.dma_semaphore, #tpu.memory_space<semaphore_mem>>) src(%arg13 : memref<80x80xf32, #tpu.memory_space<vmem>>) dst(%dma_wait3A_90 : memref<10240x80xf32, #tpu.memory_space<vmem_shared>>)
        tpu.yield
      }) : () -> ()
    }
    %scan3A_18 = arith.constant 62 : i32
    %dma_wait3A = arith.constant 0 : i32
    %dma_wait3A_19 = arith.constant 0 : i32
    %dma_wait3A_20 = tpu.memref_slice %arg2[%dma_wait3A, %dma_wait3A_19] : memref<10000x80xf32, #tpu.memory_space<hbm>> -> memref<10000x80xf32, #tpu.memory_space<hbm>>
    tpu.wait_indirect_dma semaphore(%arg17 : memref<!tpu.dma_semaphore, #tpu.memory_space<semaphore_mem>>) src(%dma_wait3A_20 : memref<10000x80xf32, #tpu.memory_space<hbm>>) dst(%arg12 : memref<80x80xf32, #tpu.memory_space<vmem>>)
    %dma_wait3A_21 = arith.constant 0 : i32
    %dma_wait3A_22 = arith.constant 0 : i32
    %dma_wait3A_23 = tpu.memref_slice %arg3[%dma_wait3A_21, %dma_wait3A_22] : memref<10000x16xf32, #tpu.memory_space<hbm>> -> memref<10000x16xf32, #tpu.memory_space<hbm>>
    tpu.wait_indirect_dma semaphore(%arg18 : memref<!tpu.dma_semaphore, #tpu.memory_space<semaphore_mem>>) src(%dma_wait3A_23 : memref<10000x16xf32, #tpu.memory_space<hbm>>) dst(%arg14 : memref<80x16xf32, #tpu.memory_space<vmem>>)
    %scan3A_24 = arith.constant 0 : i32
    %scan3A_25 = arith.constant 0 : i32
    %scan3A_26 = arith.constant 80 : i32
    %scan3A_27 = arith.addi %scan3A_25, %scan3A_26 : i32
    %scan3A_28 = arith.constant 1 : i32
    scf.for %scan3A_34 = %scan3A_25 to %scan3A_27 step %scan3A_28  : i32 {
      %get3A = arith.index_cast %scan3A_34 : i32 to index
      %get3A_35 = arith.constant 64 : index
      %get3A_36 = tpu.vector_load %arg12[%get3A, %get3A_35] {strides = array<i32>} : memref<80x80xf32, #tpu.memory_space<vmem>>, vector<1x16xf32>,
      %get3A_37 = vector.shape_cast %get3A_36 : vector<1x16xf32> to vector<16xf32>
      %get3A_38 = arith.index_cast %scan3A_34 : i32 to index
      %get3A_39 = arith.constant 0 : index
      %get3A_40 = tpu.vector_load %arg14[%get3A_38, %get3A_39] {strides = array<i32>} : memref<80x16xf32, #tpu.memory_space<vmem>>, vector<1x16xf32>,
      %get3A_41 = vector.shape_cast %get3A_40 : vector<1x16xf32> to vector<16xf32>
      %add3A_42 = arith.addf %get3A_37, %get3A_41 : vector<16xf32>
      %mul3A_43 = arith.constant 2.000000e-01 : f32
      %mul3A_44 = vector.broadcast %mul3A_43 : f32 to vector<16xf32>
      %mul3A_45 = arith.mulf %add3A_42, %mul3A_44 : vector<16xf32>
      %max3A = arith.maximumf %add3A_42, %mul3A_45 : vector<16xf32>
      %exp3A = math.exp %max3A : vector<16xf32>
      %iota3A = tpu.iota {dimensions = array<i32: 0>} : vector<16xi32>
      %lt3A = arith.constant 1 : i32
      %lt3A_46 = vector.broadcast %lt3A : i32 to vector<16xi32>
      %lt3A_47 = arith.cmpi slt, %iota3A, %lt3A_46 : vector<16xi32>
      %jit3A = arith.constant 0.000000e+00 : f32
      %broadcast_in_dim3A = vector.broadcast %jit3A : f32 to vector<16xf32>
      %select_n3A = arith.select %lt3A_47, %exp3A, %broadcast_in_dim3A : vector<16xi1>, vector<16xf32>
      %swap3A = arith.index_cast %scan3A_34 : i32 to index
      %swap3A_48 = arith.constant 64 : index
      %swap3A_49 = tpu.vector_load %arg12[%swap3A, %swap3A_48] {strides = array<i32>} : memref<80x80xf32, #tpu.memory_space<vmem>>, vector<1x16xf32>,
      %swap3A_50 = vector.shape_cast %swap3A_49 : vector<1x16xf32> to vector<16xf32>
      %swap3A_51 = vector.shape_cast %select_n3A : vector<16xf32> to vector<1x16xf32>
      tpu.vector_store %arg12[%swap3A, %swap3A_48], %swap3A_51 {strides = array<i32>} : memref<80x80xf32, #tpu.memory_space<vmem>>, vector<1x16xf32>,
      %broadcast_in_dim3A_52 = arith.constant 0 : i32
      %broadcast_in_dim3A_53 = vector.broadcast %broadcast_in_dim3A_52 : i32 to vector<16xi32>
      %lt3A_54 = arith.constant 0 : i32
      %lt3A_55 = vector.broadcast %lt3A_54 : i32 to vector<16xi32>
      %lt3A_56 = arith.cmpi slt, %broadcast_in_dim3A_53, %lt3A_55 : vector<16xi32>
      %add3A_57 = arith.constant 16 : i32
      %add3A_58 = vector.broadcast %add3A_57 : i32 to vector<16xi32>
      %add3A_59 = arith.addi %broadcast_in_dim3A_53, %add3A_58 : vector<16xi32>
      %select_n3A_60 = arith.select %lt3A_56, %add3A_59, %broadcast_in_dim3A_53 : vector<16xi1>, vector<16xi32>
      %broadcast_in_dim3A_61 = vector.shape_cast %select_n3A_60 : vector<16xi32> to vector<16x1xi32>
      %gather3A = vector.shape_cast %broadcast_in_dim3A_61 : vector<16x1xi32> to vector<16xi32>
      %gather3A_62 = tpu.dynamic_gather %exp3A[%gather3A] in [0] : vector<16xf32>, vector<16xi32> -> vector<16xf32>
      %get3A_63 = arith.index_cast %scan3A_34 : i32 to index
      %get3A_64 = arith.constant 0 : index
      %get3A_65 = tpu.vector_load %arg12[%get3A_63, %get3A_64] {strides = array<i32>} : memref<80x80xf32, #tpu.memory_space<vmem>>, vector<1x16xf32>,
      %get3A_66 = vector.shape_cast %get3A_65 : vector<1x16xf32> to vector<16xf32>
      %mul3A_67 = arith.mulf %get3A_66, %gather3A_62 : vector<16xf32>
      %swap3A_68 = arith.index_cast %scan3A_34 : i32 to index
      %swap3A_69 = arith.constant 0 : index
      %swap3A_70 = tpu.vector_load %arg12[%swap3A_68, %swap3A_69] {strides = array<i32>} : memref<80x80xf32, #tpu.memory_space<vmem>>, vector<1x16xf32>,
      %swap3A_71 = vector.shape_cast %swap3A_70 : vector<1x16xf32> to vector<16xf32>
      %swap3A_72 = vector.shape_cast %mul3A_67 : vector<16xf32> to vector<1x16xf32>
      tpu.vector_store %arg12[%swap3A_68, %swap3A_69], %swap3A_72 {strides = array<i32>} : memref<80x80xf32, #tpu.memory_space<vmem>>, vector<1x16xf32>,
      %get3A_73 = arith.index_cast %scan3A_34 : i32 to index
      %get3A_74 = arith.constant 16 : index
      %get3A_75 = tpu.vector_load %arg12[%get3A_73, %get3A_74] {strides = array<i32>} : memref<80x80xf32, #tpu.memory_space<vmem>>, vector<1x16xf32>,
      %get3A_76 = vector.shape_cast %get3A_75 : vector<1x16xf32> to vector<16xf32>
      %mul3A_77 = arith.mulf %get3A_76, %gather3A_62 : vector<16xf32>
      %swap3A_78 = arith.index_cast %scan3A_34 : i32 to index
      %swap3A_79 = arith.constant 16 : index
      %swap3A_80 = tpu.vector_load %arg12[%swap3A_78, %swap3A_79] {strides = array<i32>} : memref<80x80xf32, #tpu.memory_space<vmem>>, vector<1x16xf32>,
      %swap3A_81 = vector.shape_cast %swap3A_80 : vector<1x16xf32> to vector<16xf32>
      %swap3A_82 = vector.shape_cast %mul3A_77 : vector<16xf32> to vector<1x16xf32>
      tpu.vector_store %arg12[%swap3A_78, %swap3A_79], %swap3A_82 {strides = array<i32>} : memref<80x80xf32, #tpu.memory_space<vmem>>, vector<1x16xf32>,
      %get3A_83 = arith.index_cast %scan3A_34 : i32 to index
      %get3A_84 = arith.constant 32 : index
      %get3A_85 = tpu.vector_load %arg12[%get3A_83, %get3A_84] {strides = array<i32>} : memref<80x80xf32, #tpu.memory_space<vmem>>, vector<1x16xf32>,
      %get3A_86 = vector.shape_cast %get3A_85 : vector<1x16xf32> to vector<16xf32>
      %mul3A_87 = arith.mulf %get3A_86, %gather3A_62 : vector<16xf32>
      %swap3A_88 = arith.index_cast %scan3A_34 : i32 to index
      %swap3A_89 = arith.constant 32 : index
      %swap3A_90 = tpu.vector_load %arg12[%swap3A_88, %swap3A_89] {strides = array<i32>} : memref<80x80xf32, #tpu.memory_space<vmem>>, vector<1x16xf32>,
      %swap3A_91 = vector.shape_cast %swap3A_90 : vector<1x16xf32> to vector<16xf32>
      %swap3A_92 = vector.shape_cast %mul3A_87 : vector<16xf32> to vector<1x16xf32>
      tpu.vector_store %arg12[%swap3A_88, %swap3A_89], %swap3A_92 {strides = array<i32>} : memref<80x80xf32, #tpu.memory_space<vmem>>, vector<1x16xf32>,
      %get3A_93 = arith.index_cast %scan3A_34 : i32 to index
      %get3A_94 = arith.constant 48 : index
      %get3A_95 = tpu.vector_load %arg12[%get3A_93, %get3A_94] {strides = array<i32>} : memref<80x80xf32, #tpu.memory_space<vmem>>, vector<1x16xf32>,
      %get3A_96 = vector.shape_cast %get3A_95 : vector<1x16xf32> to vector<16xf32>
      %mul3A_97 = arith.mulf %get3A_96, %gather3A_62 : vector<16xf32>
      %swap3A_98 = arith.index_cast %scan3A_34 : i32 to index
      %swap3A_99 = arith.constant 48 : index
      %swap3A_100 = tpu.vector_load %arg12[%swap3A_98, %swap3A_99] {strides = array<i32>} : memref<80x80xf32, #tpu.memory_space<vmem>>, vector<1x16xf32>,
      %swap3A_101 = vector.shape_cast %swap3A_100 : vector<1x16xf32> to vector<16xf32>
      %swap3A_102 = vector.shape_cast %mul3A_97 : vector<16xf32> to vector<1x16xf32>
      tpu.vector_store %arg12[%swap3A_98, %swap3A_99], %swap3A_102 {strides = array<i32>} : memref<80x80xf32, #tpu.memory_space<vmem>>, vector<1x16xf32>,
    }
    %scan3A_29 = arith.constant 80 : i32
    "tpu.region"() ({
      %run_scoped3A = tpu.sem_alloc : memref<!tpu.dma_semaphore, #tpu.memory_space<semaphore_mem>>
      %dma_start3A_34 = arith.constant 0 : i32
      %dma_start3A_35 = arith.constant 0 : i32
      %dma_start3A_36 = tpu.memref_slice %arg16[%dma_start3A_34, %dma_start3A_35] : memref<10240x80xf32, #tpu.memory_space<vmem_shared>> -> memref<10240x80xf32, #tpu.memory_space<vmem_shared>>
      tpu.enqueue_indirect_dma source(%arg12 : memref<80x80xf32, #tpu.memory_space<vmem>>) target(%dma_start3A_36 : memref<10240x80xf32, #tpu.memory_space<vmem_shared>>) offsets(%arg9 : memref<80xi32, #tpu.memory_space<vmem>>) semaphore(%run_scoped3A : memref<!tpu.dma_semaphore, #tpu.memory_space<semaphore_mem>>) {add = true}
      %dma_wait3A_37 = arith.constant 0 : i32
      %dma_wait3A_38 = arith.constant 0 : i32
      %dma_wait3A_39 = tpu.memref_slice %arg16[%dma_wait3A_37, %dma_wait3A_38] : memref<10240x80xf32, #tpu.memory_space<vmem_shared>> -> memref<10240x80xf32, #tpu.memory_space<vmem_shared>>
      tpu.wait_indirect_dma semaphore(%run_scoped3A : memref<!tpu.dma_semaphore, #tpu.memory_space<semaphore_mem>>) src(%arg12 : memref<80x80xf32, #tpu.memory_space<vmem>>) dst(%dma_wait3A_39 : memref<10240x80xf32, #tpu.memory_space<vmem_shared>>)
      tpu.yield
    }) : () -> ()
    %barrier3A_30 = arith.constant 0 : index
    tpu.barrier barrier_id(%barrier3A_30)
    %mul3A_31 = arith.constant 10240 : i32
    %mul3A_32 = arith.muli %arg0, %mul3A_31 : i32
    %add3A_33 = arith.addi %mul3A_32, %mul3A_0 : i32
    "tpu.region"() ({
      %run_scoped3A = tpu.sem_alloc : memref<!tpu.dma_semaphore, #tpu.memory_space<semaphore_mem>>
      %dma_start3A_34 = arith.constant 0 : i32
      %dma_start3A_35 = tpu.memref_slice %arg7[%add3A_33, %dma_start3A_34] : memref<20480x80xf32, #tpu.memory_space<hbm>> -> memref<640x80xf32, #tpu.memory_space<hbm>>
      %dma_start3A_36 = arith.constant 0 : i32
      %dma_start3A_37 = tpu.memref_slice %arg16[%mul3A_0, %dma_start3A_36] : memref<10240x80xf32, #tpu.memory_space<vmem_shared>> -> memref<640x80xf32, #tpu.memory_space<vmem_shared>>
      tpu.enqueue_dma source(%dma_start3A_37 : memref<640x80xf32, #tpu.memory_space<vmem_shared>>) target(%dma_start3A_35 : memref<640x80xf32, #tpu.memory_space<hbm>>) target_semaphore(%run_scoped3A : memref<!tpu.dma_semaphore, #tpu.memory_space<semaphore_mem>>)
      %dma_wait3A_38 = arith.constant 0 : i32
      %dma_wait3A_39 = tpu.memref_slice %arg7[%add3A_33, %dma_wait3A_38] : memref<20480x80xf32, #tpu.memory_space<hbm>> -> memref<640x80xf32, #tpu.memory_space<hbm>>
      %dma_wait3A_40 = arith.constant 0 : i32
      %dma_wait3A_41 = tpu.memref_slice %arg16[%mul3A_0, %dma_wait3A_40] : memref<10240x80xf32, #tpu.memory_space<vmem_shared>> -> memref<640x80xf32, #tpu.memory_space<vmem_shared>>
      tpu.wait_dma2 semaphore(%run_scoped3A : memref<!tpu.dma_semaphore, #tpu.memory_space<semaphore_mem>>) src(%dma_wait3A_41 : memref<640x80xf32, #tpu.memory_space<vmem_shared>>) dst(%dma_wait3A_39 : memref<640x80xf32, #tpu.memory_space<hbm>>)
      tpu.yield
    }) : () -> ()
    return
  }
}

module attributes {stable_mosaic.version = 14 : i64} {
  func.func @_nodes1_body(%arg0: i32, %arg1: memref<400x128xf32, #tpu.memory_space<vmem>>, %arg2: memref<128x132xf32, #tpu.memory_space<vmem>>, %arg3: memref<400x144xf32, #tpu.memory_space<vmem>>, %arg4: memref<400x16xf32, #tpu.memory_space<vmem>>) attributes {dimension_semantics = [#tpu.dimension_semantics<arbitrary>], iteration_bounds = array<i64: 25>, scalar_prefetch = 0 : i64, scratch_operands = 0 : i64, tpu.core_type = #tpu.core_type<tc>, window_params = [{transform_indices = @transform_0, window_bounds = array<i64: 400, 128>}, {pipeline_mode = #tpu.pipeline_mode<synchronous>, transform_indices = @transform_1, window_bounds = array<i64: 128, 132>}, {transform_indices = @transform_2, window_bounds = array<i64: 400, 144>}, {transform_indices = @transform_3, window_bounds = array<i64: 400, 16>}]} {
    %get3A = arith.constant 0 : index
    %get3A_0 = arith.constant 0 : index
    %get3A_1 = vector.load %arg1[%get3A, %get3A_0] : memref<400x128xf32, #tpu.memory_space<vmem>>, vector<400x128xf32>
    %get3A_2 = arith.constant 0 : index
    %get3A_3 = arith.constant 0 : index
    %get3A_4 = vector.load %arg2[%get3A_2, %get3A_3] : memref<128x132xf32, #tpu.memory_space<vmem>>, vector<128x132xf32>
    %dot_general3A = arith.constant dense<0.000000e+00> : vector<400x132xf32>
    %dot_general3A_5 = tpu.matmul %get3A_1, %get3A_4, %dot_general3A {dimension_numbers = #tpu.dot_dimension_numbers<[1], [0], [0], [1], [0, 0, 1, 1], [], []>, transpose_lhs_hint = false} : vector<400x128xf32>, vector<128x132xf32>, vector<400x132xf32> -> vector<400x132xf32>
    %broadcast_in_dim3A = arith.constant 0.000000e+00 : f32
    %broadcast_in_dim3A_6 = vector.broadcast %broadcast_in_dim3A : f32 to vector<400x14xf32>
    %slice3A = vector.extract_strided_slice %dot_general3A_5 {offsets = [0, 0], sizes = [400, 130], strides = [1, 1]} : vector<400x132xf32> to vector<400x130xf32>
    %concatenate3A = tpu.concatenate %slice3A, %broadcast_in_dim3A_6 in 1 : vector<400x130xf32>, vector<400x14xf32> -> vector<400x144xf32>
    %swap3A = arith.constant 0 : index
    %swap3A_7 = arith.constant 0 : index
    %swap3A_8 = vector.load %arg3[%swap3A, %swap3A_7] : memref<400x144xf32, #tpu.memory_space<vmem>>, vector<400x144xf32>
    tpu.vector_store %arg3[%swap3A, %swap3A_7], %concatenate3A {strides = array<i32>} : memref<400x144xf32, #tpu.memory_space<vmem>>, vector<400x144xf32>,
    %slice3A_9 = vector.extract_strided_slice %dot_general3A_5 {offsets = [0, 130], sizes = [400, 2], strides = [1, 1]} : vector<400x132xf32> to vector<400x2xf32>
    %concatenate3A_10 = tpu.concatenate %slice3A_9, %broadcast_in_dim3A_6 in 1 : vector<400x2xf32>, vector<400x14xf32> -> vector<400x16xf32>
    %swap3A_11 = arith.constant 0 : index
    %swap3A_12 = arith.constant 0 : index
    %swap3A_13 = vector.load %arg4[%swap3A_11, %swap3A_12] : memref<400x16xf32, #tpu.memory_space<vmem>>, vector<400x16xf32>
    tpu.vector_store %arg4[%swap3A_11, %swap3A_12], %concatenate3A_10 {strides = array<i32>} : memref<400x16xf32, #tpu.memory_space<vmem>>, vector<400x16xf32>,
    return
  }
  func.func @transform_0(%arg0: i32) -> (i32, i32) {
    %c0_i32 = arith.constant 0 : i32
    %c0_i32_0 = arith.constant 0 : i32
    return %arg0, %c0_i32 : i32, i32
  }
  func.func @transform_1(%arg0: i32) -> (i32, i32) {
    %c0_i32 = arith.constant 0 : i32
    %c0_i32_0 = arith.constant 0 : i32
    %c0_i32_1 = arith.constant 0 : i32
    return %c0_i32, %c0_i32_0 : i32, i32
  }
  func.func @transform_2(%arg0: i32) -> (i32, i32) {
    %c0_i32 = arith.constant 0 : i32
    %c0_i32_0 = arith.constant 0 : i32
    return %arg0, %c0_i32 : i32, i32
  }
  func.func @transform_3(%arg0: i32) -> (i32, i32) {
    %c0_i32 = arith.constant 0 : i32
    %c0_i32_0 = arith.constant 0 : i32
    return %arg0, %c0_i32 : i32, i32
  }
}

module attributes {stable_mosaic.version = 14 : i64} {
  func.func @_nodes2_body(%arg0: i32, %arg1: memref<1x400x144xf32, #tpu.memory_space<vmem>>, %arg2: memref<1x400x144xf32, #tpu.memory_space<vmem>>, %arg3: memref<1x128xf32, #tpu.memory_space<vmem>>, %arg4: memref<128x66xf32, #tpu.memory_space<vmem>>, %arg5: memref<400x80xf32, #tpu.memory_space<vmem>>, %arg6: memref<400x16xf32, #tpu.memory_space<vmem>>) attributes {dimension_semantics = [#tpu.dimension_semantics<arbitrary>], iteration_bounds = array<i64: 25>, scalar_prefetch = 0 : i64, scratch_operands = 0 : i64, tpu.core_type = #tpu.core_type<tc>, window_params = [{transform_indices = @transform_0, window_bounds = array<i64: 1, 400, 144>}, {transform_indices = @transform_1, window_bounds = array<i64: 1, 400, 144>}, {pipeline_mode = #tpu.pipeline_mode<synchronous>, transform_indices = @transform_2, window_bounds = array<i64: 1, 128>}, {pipeline_mode = #tpu.pipeline_mode<synchronous>, transform_indices = @transform_3, window_bounds = array<i64: 128, 66>}, {transform_indices = @transform_4, window_bounds = array<i64: 400, 80>}, {transform_indices = @transform_5, window_bounds = array<i64: 400, 16>}]} {
    %get3A = arith.constant 0 : index
    %get3A_0 = arith.constant 0 : index
    %get3A_1 = arith.constant 0 : index
    %get3A_2 = vector.load %arg1[%get3A, %get3A_0, %get3A_1] : memref<1x400x144xf32, #tpu.memory_space<vmem>>, vector<1x400x144xf32>
    %get3A_3 = vector.shape_cast %get3A_2 : vector<1x400x144xf32> to vector<400x144xf32>
    %get3A_4 = arith.constant 0 : index
    %get3A_5 = arith.constant 0 : index
    %get3A_6 = arith.constant 0 : index
    %get3A_7 = vector.load %arg2[%get3A_4, %get3A_5, %get3A_6] : memref<1x400x144xf32, #tpu.memory_space<vmem>>, vector<1x400x144xf32>
    %get3A_8 = vector.shape_cast %get3A_7 : vector<1x400x144xf32> to vector<400x144xf32>
    %add3A = arith.addf %get3A_3, %get3A_8 : vector<400x144xf32>
    %slice3A = vector.extract_strided_slice %add3A {offsets = [0, 0], sizes = [400, 128], strides = [1, 1]} : vector<400x144xf32> to vector<400x128xf32>
    %slice3A_9 = vector.extract_strided_slice %add3A {offsets = [0, 128], sizes = [400, 2], strides = [1, 1]} : vector<400x144xf32> to vector<400x2xf32>
    %broadcast_in_dim3A = vector.shape_cast %slice3A_9 : vector<400x2xf32> to vector<400x2x1xf32>
    %broadcast_in_dim3A_10 = vector.shape_cast %broadcast_in_dim3A : vector<400x2x1xf32> to vector<400x2x1xf32>
    %broadcast_in_dim3A_11 = vector.broadcast %broadcast_in_dim3A_10 : vector<400x2x1xf32> to vector<400x2x64xf32>
    %reshape3A = vector.shape_cast %broadcast_in_dim3A_11 : vector<400x2x64xf32> to vector<400x128xf32>
    %add3A_12 = arith.constant 1.000000e-16 : f32
    %add3A_13 = vector.broadcast %add3A_12 : f32 to vector<400x128xf32>
    %add3A_14 = arith.addf %reshape3A, %add3A_13 : vector<400x128xf32>
    %div3A = arith.divf %slice3A, %add3A_14 : vector<400x128xf32>
    %get3A_15 = arith.constant 0 : index
    %get3A_16 = arith.constant 0 : index
    %get3A_17 = vector.load %arg3[%get3A_15, %get3A_16] : memref<1x128xf32, #tpu.memory_space<vmem>>, vector<1x128xf32>
    %add3A_18 = vector.broadcast %get3A_17 : vector<1x128xf32> to vector<400x128xf32>
    %add3A_19 = arith.addf %div3A, %add3A_18 : vector<400x128xf32>
    %max3A = arith.constant 0.000000e+00 : f32
    %max3A_20 = vector.broadcast %max3A : f32 to vector<400x128xf32>
    %max3A_21 = arith.maximumf %add3A_19, %max3A_20 : vector<400x128xf32>
    %get3A_22 = arith.constant 0 : index
    %get3A_23 = arith.constant 0 : index
    %get3A_24 = vector.load %arg4[%get3A_22, %get3A_23] : memref<128x66xf32, #tpu.memory_space<vmem>>, vector<128x66xf32>
    %dot_general3A = arith.constant dense<0.000000e+00> : vector<400x66xf32>
    %dot_general3A_25 = tpu.matmul %max3A_21, %get3A_24, %dot_general3A {dimension_numbers = #tpu.dot_dimension_numbers<[1], [0], [0], [1], [0, 0, 1, 1], [], []>, transpose_lhs_hint = false} : vector<400x128xf32>, vector<128x66xf32>, vector<400x66xf32> -> vector<400x66xf32>
    %broadcast_in_dim3A_26 = arith.constant 0.000000e+00 : f32
    %broadcast_in_dim3A_27 = vector.broadcast %broadcast_in_dim3A_26 : f32 to vector<400x15xf32>
    %slice3A_28 = vector.extract_strided_slice %dot_general3A_25 {offsets = [0, 0], sizes = [400, 65], strides = [1, 1]} : vector<400x66xf32> to vector<400x65xf32>
    %concatenate3A = tpu.concatenate %slice3A_28, %broadcast_in_dim3A_27 in 1 : vector<400x65xf32>, vector<400x15xf32> -> vector<400x80xf32>
    %swap3A = arith.constant 0 : index
    %swap3A_29 = arith.constant 0 : index
    %swap3A_30 = vector.load %arg5[%swap3A, %swap3A_29] : memref<400x80xf32, #tpu.memory_space<vmem>>, vector<400x80xf32>
    tpu.vector_store %arg5[%swap3A, %swap3A_29], %concatenate3A {strides = array<i32>} : memref<400x80xf32, #tpu.memory_space<vmem>>, vector<400x80xf32>,
    %slice3A_31 = vector.extract_strided_slice %dot_general3A_25 {offsets = [0, 65], sizes = [400, 1], strides = [1, 1]} : vector<400x66xf32> to vector<400x1xf32>
    %concatenate3A_32 = tpu.concatenate %slice3A_31, %broadcast_in_dim3A_27 in 1 : vector<400x1xf32>, vector<400x15xf32> -> vector<400x16xf32>
    %swap3A_33 = arith.constant 0 : index
    %swap3A_34 = arith.constant 0 : index
    %swap3A_35 = vector.load %arg6[%swap3A_33, %swap3A_34] : memref<400x16xf32, #tpu.memory_space<vmem>>, vector<400x16xf32>
    tpu.vector_store %arg6[%swap3A_33, %swap3A_34], %concatenate3A_32 {strides = array<i32>} : memref<400x16xf32, #tpu.memory_space<vmem>>, vector<400x16xf32>,
    return
  }
  func.func @transform_0(%arg0: i32) -> (i32, i32, i32) {
    %c0_i32 = arith.constant 0 : i32
    %c0_i32_0 = arith.constant 0 : i32
    %c0_i32_1 = arith.constant 0 : i32
    return %c0_i32, %arg0, %c0_i32_0 : i32, i32, i32
  }
  func.func @transform_1(%arg0: i32) -> (i32, i32, i32) {
    %c0_i32 = arith.constant 0 : i32
    %c0_i32_0 = arith.constant 0 : i32
    %c0_i32_1 = arith.constant 0 : i32
    return %c0_i32, %arg0, %c0_i32_0 : i32, i32, i32
  }
  func.func @transform_2(%arg0: i32) -> (i32, i32) {
    %c0_i32 = arith.constant 0 : i32
    %c0_i32_0 = arith.constant 0 : i32
    %c0_i32_1 = arith.constant 0 : i32
    return %c0_i32, %c0_i32_0 : i32, i32
  }
  func.func @transform_3(%arg0: i32) -> (i32, i32) {
    %c0_i32 = arith.constant 0 : i32
    %c0_i32_0 = arith.constant 0 : i32
    %c0_i32_1 = arith.constant 0 : i32
    return %c0_i32, %c0_i32_0 : i32, i32
  }
  func.func @transform_4(%arg0: i32) -> (i32, i32) {
    %c0_i32 = arith.constant 0 : i32
    %c0_i32_0 = arith.constant 0 : i32
    return %arg0, %c0_i32 : i32, i32
  }
  func.func @transform_5(%arg0: i32) -> (i32, i32) {
    %c0_i32 = arith.constant 0 : i32
    %c0_i32_0 = arith.constant 0 : i32
    return %arg0, %c0_i32 : i32, i32
  }
}

module attributes {stable_mosaic.version = 14 : i64} {
  func.func @_nodes3_body(%arg0: i32, %arg1: memref<1x400x80xf32, #tpu.memory_space<vmem>>, %arg2: memref<1x400x80xf32, #tpu.memory_space<vmem>>, %arg3: memref<1x64xf32, #tpu.memory_space<vmem>>, %arg4: memref<400x64xf32, #tpu.memory_space<vmem>>) attributes {dimension_semantics = [#tpu.dimension_semantics<arbitrary>], iteration_bounds = array<i64: 25>, scalar_prefetch = 0 : i64, scratch_operands = 0 : i64, tpu.core_type = #tpu.core_type<tc>, window_params = [{transform_indices = @transform_0, window_bounds = array<i64: 1, 400, 80>}, {transform_indices = @transform_1, window_bounds = array<i64: 1, 400, 80>}, {pipeline_mode = #tpu.pipeline_mode<synchronous>, transform_indices = @transform_2, window_bounds = array<i64: 1, 64>}, {transform_indices = @transform_3, window_bounds = array<i64: 400, 64>}]} {
    %get3A = arith.constant 0 : index
    %get3A_0 = arith.constant 0 : index
    %get3A_1 = arith.constant 0 : index
    %get3A_2 = vector.load %arg1[%get3A, %get3A_0, %get3A_1] : memref<1x400x80xf32, #tpu.memory_space<vmem>>, vector<1x400x80xf32>
    %get3A_3 = vector.shape_cast %get3A_2 : vector<1x400x80xf32> to vector<400x80xf32>
    %get3A_4 = arith.constant 0 : index
    %get3A_5 = arith.constant 0 : index
    %get3A_6 = arith.constant 0 : index
    %get3A_7 = vector.load %arg2[%get3A_4, %get3A_5, %get3A_6] : memref<1x400x80xf32, #tpu.memory_space<vmem>>, vector<1x400x80xf32>
    %get3A_8 = vector.shape_cast %get3A_7 : vector<1x400x80xf32> to vector<400x80xf32>
    %add3A = arith.addf %get3A_3, %get3A_8 : vector<400x80xf32>
    %slice3A = vector.extract_strided_slice %add3A {offsets = [0, 0], sizes = [400, 64], strides = [1, 1]} : vector<400x80xf32> to vector<400x64xf32>
    %slice3A_9 = vector.extract_strided_slice %add3A {offsets = [0, 64], sizes = [400, 1], strides = [1, 1]} : vector<400x80xf32> to vector<400x1xf32>
    %add3A_10 = arith.constant 1.000000e-16 : f32
    %add3A_11 = vector.broadcast %add3A_10 : f32 to vector<400x1xf32>
    %add3A_12 = arith.addf %slice3A_9, %add3A_11 : vector<400x1xf32>
    %div3A = vector.broadcast %add3A_12 : vector<400x1xf32> to vector<400x64xf32>
    %div3A_13 = arith.divf %slice3A, %div3A : vector<400x64xf32>
    %get3A_14 = arith.constant 0 : index
    %get3A_15 = arith.constant 0 : index
    %get3A_16 = vector.load %arg3[%get3A_14, %get3A_15] : memref<1x64xf32, #tpu.memory_space<vmem>>, vector<1x64xf32>
    %add3A_17 = vector.broadcast %get3A_16 : vector<1x64xf32> to vector<400x64xf32>
    %add3A_18 = arith.addf %div3A_13, %add3A_17 : vector<400x64xf32>
    %swap3A = arith.constant 0 : index
    %swap3A_19 = arith.constant 0 : index
    %swap3A_20 = vector.load %arg4[%swap3A, %swap3A_19] : memref<400x64xf32, #tpu.memory_space<vmem>>, vector<400x64xf32>
    tpu.vector_store %arg4[%swap3A, %swap3A_19], %add3A_18 {strides = array<i32>} : memref<400x64xf32, #tpu.memory_space<vmem>>, vector<400x64xf32>,
    return
  }
  func.func @transform_0(%arg0: i32) -> (i32, i32, i32) {
    %c0_i32 = arith.constant 0 : i32
    %c0_i32_0 = arith.constant 0 : i32
    %c0_i32_1 = arith.constant 0 : i32
    return %c0_i32, %arg0, %c0_i32_0 : i32, i32, i32
  }
  func.func @transform_1(%arg0: i32) -> (i32, i32, i32) {
    %c0_i32 = arith.constant 0 : i32
    %c0_i32_0 = arith.constant 0 : i32
    %c0_i32_1 = arith.constant 0 : i32
    return %c0_i32, %arg0, %c0_i32_0 : i32, i32, i32
  }
  func.func @transform_2(%arg0: i32) -> (i32, i32) {
    %c0_i32 = arith.constant 0 : i32
    %c0_i32_0 = arith.constant 0 : i32
    %c0_i32_1 = arith.constant 0 : i32
    return %c0_i32, %c0_i32_0 : i32, i32
  }
  func.func @transform_3(%arg0: i32) -> (i32, i32) {
    %c0_i32 = arith.constant 0 : i32
    %c0_i32_0 = arith.constant 0 : i32
    return %arg0, %c0_i32 : i32, i32
  }
}

</mosaic_0001>

<sc_bundles>
// kernel: kernel.10.cloned.1.call-start
scs
__scs_entry_jumppad:
0x0: {  	(pc) =	sbr.rel $0x88, $3  }
0x1: {  	(tag) =	ssettag $0x0;
	lr =	simm.s32 $0x1  }
0x2: {  	[smem:$0x3F95] =	sst lr;
	_ =	strace $0xD0000000  }
0x3: {  	_ = 	snop  }
0x4: {  	_ = 	snop  }
0x5: {  	_ = 	snop  }
0x6: {  	_ = 	snop  }
0x7: {  	_ = 	snop  }
__scs_overlays_trampoline_lowered:
0x8: {  	[smem:$0x3FA4] =	sst s0  }
0x9: {  	[smem:$0x3FA5] =	sst s1  }
0xa: {  	[smem:$0x3FA6] =	sst s2  }
0xb: {  	[smem:$0x3FA7] =	sst s3  }
0xc: {  	[smem:$0x3FA8] =	sst s4  }
0xd: {  	[smem:$0x3FA9] =	sst s5  }
0xe: {  	[smem:$0x3FAA] =	sst s6  }
0xf: {  	[smem:$0x3FAB] =	sst s7  }
0x10: {  	[smem:$0x3FAC] =	sst s8  }
0x11: {  	[smem:$0x3FAD] =	sst s9;
	s0 =	simm.s32 @!p0 $0x0  }
0x12: {  	s1 =	sld [smem:$0x3F93];
	s0 =	simm.s32 @p0 $0x1  }
0x13: {  	[smem:$0x3FAE] =	sst s0;
	s0 =	simm.s32 @!p1 $0x0  }
0x14: {  	s2 =	sld [smem:$0x3F92];
	s0 =	simm.s32 @p1 $0x1  }
0x15: {  	[smem:$0x3FAF] =	sst s0;
	s0 =	simm.s32 @!p2 $0x0  }
0x16: {  	s3 =	sld [smem:$0x3FDB];
	s0 =	simm.s32 @p2 $0x1  }
0x17: {  	s4 =	simm.s32 $0x1BF5;
	[smem:$0x3FB1] =	sst s0  }
0x18: {  	s0 =	sld [smem:$0x3F94];
	_ =	swait.ge [sflag:s4], $0x0  }
0x19: {  	s7 =	sld [smem:$0x3F95]  }
0x1a: {  	s8 =	sadd.s32 $0xFFFFE003, lr  }
0x1b: {  	s9 =	sadd.s32 $0xFFFFFEF7, lr;
	s5 =	simm.s32 $0xFFFFFFFF;
	p2 =	slt.u32 s8, $0xFFFFF086  }
0x1c: {  	p1 =	slt.u32 s9, $0xF7A;
	s5 =	simm.s32 @!p2 $0x0  }
0x1d: {  	s5 =	simm.s32 @p1 $0x1;
	p0 =	seq.s32 s7, s2  }
0x1e: {  	s7 =	smul.u32 @!p0 $0xF7A, s2;
	p2 =	seq.s32 @!p0 s5, $0x0  }
0x1f: {  	s9 =	smul.u32 $0xF7A, s1;
	s8 =	simm.s32 @!p0 $0x1BF5;
	p2 =	por !p2, p0  }
0x20: {  	[sflag:s8] =	ssyncset.s32 @!p0 $0xFFFFF086;
	s6 =	sadd.s32 @!p0 s3, s7;
	s7 =	simm.s32 @!p0 $0x108  }
0x21: {  	s3 =	sadd.s32 s3, s9;
	s6 =	sadd.s32 @!p0 $0x88, s6;
	s7 =	simm.s32 @p2 $0x1082  }
0x22: {  	[simem:s7], [sflag:s8] =	dma.local @!p0 [hbm:s6], $0xF7A  }
0x23: {  	s9 =	sor.u32 $0xD0000000, s2;
	s6 =	simm.s32 $0x108;
	_ =	swait.ge @!p0 [sflag:s8], $0x0  }
0x24: {  	s3 =	sadd.s32 $0x88, s3;
	s6 =	simm.s32 @!p1 $0x1082;
	[sflag:s4] =	ssyncset.s32 $0xFFFFF086  }
0x25: {  	[simem:s6], [sflag:s4] =	dma.local [hbm:s3], $0xF7A  }
0x26: {  	[smem:$0x3F95] =	sst s1;
	(tag) =	ssettag s2;
	_ =	strace s9  }
0x27: {  	s1 =	sld [smem:$0x3FA5]  }
0x28: {  	s2 =	sld [smem:$0x3FA6]  }
0x29: {  	s4 =	sld [smem:$0x3FA8]  }
0x2a: {  	p0 =	seq.s32 s5, $0x0;
	s5 =	sld [smem:$0x3FA9]  }
0x2b: {  	s6 =	sld [smem:$0x3FAA]  }
0x2c: {  	s7 =	sld [smem:$0x3FAB]  }
0x2d: {  	s3 =	simm.s32 $0x108;
	s8 =	sld [smem:$0x3FAC]  }
0x2e: {  	s3 =	simm.s32 @!p0 $0x1082;
	s9 =	sld [smem:$0x3FAD]  }
0x2f: {  	lr =	sadd.s32 s0, s3;
	s0 =	sld [smem:$0x3FA4]  }
0x30: {  	s3 =	sld [smem:$0x3FA7]  }
0x31: {  	[smem:$0x3FB0] =	sst s10  }
0x32: {  	s10 =	sld [smem:$0x3FAE];
	_ =	sdelay $0x3  }
0x33: {  	p0 =	seq.s32 s10, $0x1;
	s10 =	sld [smem:$0x3FB0];
	_ =	sdelay $0x3  }
0x34: {  	[smem:$0x3FB0] =	sst s10  }
0x35: {  	s10 =	sld [smem:$0x3FAF];
	_ =	sdelay $0x3  }
0x36: {  	p1 =	seq.s32 s10, $0x1;
	s10 =	sld [smem:$0x3FB0];
	_ =	sdelay $0x3  }
0x37: {  	[smem:$0x3FB0] =	sst s10  }
0x38: {  	s10 =	sld [smem:$0x3FB1]  }
0x39: {  	_ = 	snop;
	(pc) =	sbr.ind lr, $3  }
0x3a: {  	_ = 	snop  }
0x3b: {  	_ = 	snop  }
0x3c: {  	p2 =	seq.s32 s10, $0x1;
	s10 =	sld [smem:$0x3FB0]  }
0x3d: {  	_ =	shalt  }
0x3e: {  	_ =	shalt  }
0x3f: {  	_ =	shalt  }
0x40: {  	_ =	shalt  }
0x41: {  	_ =	shalt  }
0x42: {  	_ =	shalt  }
0x43: {  	_ =	shalt  }
0x44: {  	_ =	shalt  }
0x45: {  	_ =	shalt  }
0x46: {  	_ =	shalt  }
0x47: {  	_ =	shalt  }
0x48: {  	_ =	shalt  }
0x49: {  	_ =	shalt  }
0x4a: {  	_ =	shalt  }
0x4b: {  	_ =	shalt  }
0x4c: {  	_ =	shalt  }
0x4d: {  	_ =	shalt  }
0x4e: {  	_ =	shalt  }
0x4f: {  	_ =	shalt  }
0x50: {  	_ =	shalt  }
0x51: {  	_ =	shalt  }
0x52: {  	_ =	shalt  }
0x53: {  	_ =	shalt  }
0x54: {  	_ =	shalt  }
0x55: {  	_ =	shalt  }
0x56: {  	_ =	shalt  }
0x57: {  	_ =	shalt  }
0x58: {  	_ =	shalt  }
0x59: {  	_ =	shalt  }
0x5a: {  	_ =	shalt  }
0x5b: {  	_ =	shalt  }
0x5c: {  	_ =	shalt  }
0x5d: {  	_ =	shalt  }
0x5e: {  	_ =	shalt  }
0x5f: {  	_ =	shalt  }
0x60: {  	_ =	shalt  }
0x61: {  	_ =	shalt  }
0x62: {  	_ =	shalt  }
0x63: {  	_ =	shalt  }
0x64: {  	_ =	shalt  }
0x65: {  	_ =	shalt  }
0x66: {  	_ =	shalt  }
0x67: {  	_ =	shalt  }
0x68: {  	_ =	shalt  }
0x69: {  	_ =	shalt  }
0x6a: {  	_ =	shalt  }
0x6b: {  	_ =	shalt  }
0x6c: {  	_ =	shalt  }
0x6d: {  	_ =	shalt  }
0x6e: {  	_ =	shalt  }
0x6f: {  	_ =	shalt  }
0x70: {  	_ =	shalt  }
0x71: {  	_ =	shalt  }
0x72: {  	_ =	shalt  }
0x73: {  	_ =	shalt  }
0x74: {  	_ =	shalt  }
0x75: {  	_ =	shalt  }
0x76: {  	_ =	shalt  }
0x77: {  	_ =	shalt  }
0x78: {  	_ =	shalt  }
0x79: {  	_ =	shalt  }
0x7a: {  	_ =	shalt  }
0x7b: {  	_ =	shalt  }
0x7c: {  	_ =	shalt  }
0x7d: {  	_ =	shalt  }
0x7e: {  	_ =	shalt  }
0x7f: {  	_ =	shalt  }
0x80: {  	_ =	shalt  }
0x81: {  	_ =	shalt  }
0x82: {  	_ =	shalt  }
0x83: {  	_ =	shalt  }
0x84: {  	_ =	shalt  }
0x85: {  	_ =	shalt  }
0x86: {  	_ =	shalt  }
0x87: {  	_ =	shalt  }
.Lfunc_end0:
.L_simem_size_0:
called_computation.1_lowered:
.L_overlay_start_0:
0x88: {  	s2 =	sld [smem:$0x3FD9]  }
0x89: {  	s3 =	sld [smem:$0x3FFE];
	_ =	sdelay $0x1  }
0x8a: {  	s1 =	srdreg.scid  }
0x8b: {  	s0 =	sand.u32 $0x1, s1  }
0x8c: {  	s17 =	sshll.u32 s0, $0xA;
	s2 =	sadd.s32 s3, s2  }
0x8d: {  	s2 =	sadd.s32 s2, s17  }
0x8e: {  	[smem:$0x3FBC] =	sst s2  }
0x8f: {  	_ = 	snop  }
0x90: {  	s2 =	sld [smem:$0x3FD0];
	(tm) =	ssettm $0x1  }
0x91: {  	s18 =	sld [smem:$0x3FFB];
	_ =	sdelay $0x3  }
0x92: {  	_ =	strace s18  }
0x93: {  	s3 =	sld [smem:$0x3FFC];
	_ =	sdelay $0x3  }
0x94: {  	_ =	strace s3  }
0x95: {  	s3 =	sld [smem:$0x3FFD];
	_ =	sdelay $0x3  }
0x96: {  	_ =	strace s3  }
0x97: {  	_ =	strace $0x8FFFFFFF  }
0x98: {  	s19 =	sld [smem:$0x3FDB];
	_ =	sdelay $0x1  }
0x99: {  	s4 =	simm.s32 $_scs_section_size  }
0x9a: {  	s5 =	simm.s32 $_size__tile_overlayer_lowered;
	s6 =	simm.s32 $_tile_overlayer_lowered  }
0x9b: {  	s22 =	simm.s32 $0x1BFF;
	s21 =	sshll.u32 s6, $0x1;
	s3 =	sadd.s32 s4, s19  }
0x9c: {  	s7 =	simm.s32 $0x0;
	s20 =	sshll.u32 s5, $0x1;
	s5 =	sadd.s32 s21, s3  }
0x9d: {  	[timem:s7], [sflag:s22] =	dma.local [hbm:s5], s20  }
0x9e: {  	_ =	swait.ge [sflag:s22], s20  }
0x9f: {  	s4 =	ssub.s32 $0x0, s20;
	[sflag:s22] =	ssyncset.done $0x0  }
0xa0: {  	[sflag:s22] =	ssyncadd.s32 s4;
	_ =	sdelay $0x1  }
0xa1: {  	s23 =	simm.s32 $0x1B8B  }
0xa2: {  	_ =	swait.ge [sflag:s23], $0x1  }
0xa3: {  	[sflag:s23] =	ssyncset.done $0x0  }
0xa4: {  	s25 =	simm.s32 $0x1B8E;
	s24 =	sld [smem:$0x3FFE];
	[sflag:s23] =	ssyncadd.s32 $0xFFFFFFFF  }
0xa5: {  	s26 =	simm.s32 $execute0_lowered;
	[smem:$0x3FD2] =	sst s25  }
0xa6: {  	s5 =	sshll.u32 s26, $0x1;
	_ =	strace $0x80000049;
	[dreg:$0x1] =	wrdreg $0xFFFFFFFF  }
0xa7: {  	s28 =	simm.s32 $_size_execute0_lowered;
	s3 =	sadd.s32 s3, s5;
	[dreg:$0x0] =	wrdreg $0x0  }
0xa8: {  	s5 =	sshll.u32 s28, $0x1;
	[dreg:$0x2] =	wrdreg s3  }
0xa9: {  	[dreg:$0x3] =	wrdreg s5  }
0xaa: {  	[dreg:$0x4] =	wrdreg $0xC0  }
0xab: {  	_ =	task [dreg:s7], $0x5FFFF  }
0xac: {  	[dreg:$0x1] =	wrdreg $0xFFFFFFFF  }
0xad: {  	[dreg:$0x0] =	wrdreg $0x60  }
0xae: {  	[dreg:$0x2] =	wrdreg s24  }
0xaf: {  	[dreg:$0x3] =	wrdreg s2  }
0xb0: {  	[dreg:$0x4] =	wrdreg $0x3D400  }
0xb1: {  	[dreg:$0x5] =	wrdreg $0x9  }
0xb2: {  	_ =	task.clear_ibuf [dreg:s7], $0x6FFFF;
	_ =	strace $0x90000049  }
0xb3: {  	s29 =	simm.s32 $0x9;
	_ =	strace $0x8000004B  }
0xb4: {  	_ =	swait.ge [sflag:s29], $0x1  }
0xb5: {  	[sflag:s29] =	ssyncadd.s32 $0xFFFFFFFF  }
0xb6: {  	_ =	strace $0x9000004B  }
0xb7: {  	_ =	sfence  }
0xb8: {  	s30 =	sld [smem:$0x0];
	_ =	sdelay $0x2  }
0xb9: {  	s31 =	sshll.u32 s1, $0xD;
	s1 =	sshrl.u32 s1, $0x2  }
0xba: {  	s3 =	sand.u32 $0x4000, s31;
	s1 =	sadd.s32 s1, s30  }
0xbb: {  	s0 =	sor.u32 s3, s0;
	s1 =	sshll.u32 s1, $0x11  }
0xbc: {  	s0 =	sor.u32 s1, s0  }
0xbd: {  	s0 =	sadd.s32 $0x8F2B, s0  }
0xbe: {  	[sflag:s0] =	ssyncadd.remote.s32 $0x1  }
0xbf: {  	_ =	sfence.sel $0xFFFF  }
0xc0: {  	[dreg:$0x0] =	wrdreg $0xFFFFFFFF;
	(pc) =	sbr.abs _section_cstart, $3  }
0xc1: {  	[dreg:$0x1] =	wrdreg $0xFFFFFFFF  }
0xc2: {  	_ =	task.clear_ibuf [dreg:s7], $0x2FFFF;
	_ =	strace $0x9FFFFFFF  }
0xc3: {  	(tm) =	ssettm $0x7FFFFFFF  }
tec
execute0_lowered:
.L_overlay_start_1:
0x0: {  	(tag) =	ssettag $0x1  }
0x1: {  	s0 =	rddreg [dreg:$0x0]  }
0x2: {  	s1 =	rddreg [dreg:$0x1]  }
0x3: {  	s3 =	rddreg [dreg:$0x2];
	s4 =	simm.s32 $0x0;
	s13 =	stileid.u32  }
0x4: {  	s5 =	srdreg.scid;
	s17 =	simm.s32 $0x5;
	s18 =	simm.s32 $0x50  }
0x5: {  	s19 =	simm.s32 $0x140;
	s20 =	simm.s32 $0x3340;
	s21 =	simm.s32 $0xA0  }
0x6: {  	s28 =	simm.s32 $0x3;
	s29 =	simm.s32 $0x4;
	s30 =	simm.s32 $0x0  }
0x7: {  	[smem:$0x7FF] =	sst s4;
	s2 =	smul.u32 $0xC800, s13;
	s8 =	sand.u32 $0x1, s5  }
0x8: {  	s9 =	smul.u32 $0x1900, s13;
	s5 =	sadd.s32 $0xA400, s0;
	s6 =	sadd.s32 $0x22C00, s0  }
0x9: {  	s7 =	sadd.s32 $0x600, s0;
	s25 =	sshll.u32 s13, $0x6;
	_ =	strace $0x8000004A  }
0xa: {  	s11 =	smul.u32 $0x19000, s8;
	s22 =	ssub.s32 $0x2, s8;
	s8 =	sshll.u32 s8, $0x4  }
0xb: {  	s10 =	sshrl.u32 s2, $0x3;
	s23 =	sshrl.u32 s22, $0x1;
	s8 =	sor.u32 s13, s8  }
0xc: {  	s2 =	sadd.s32 s2, s3;
	s10 =	sadd.s32 s10, s0;
	s12 =	smul.u32 $0x4E2, s8  }
0xd: {  	s9 =	sadd.s32 s9, s11;
	s11 =	ssub.s32 s22, s23;
	s8 =	smul.u32 $0x7D, s8  }
0xe: {  	s16 =	sshrl.u32 s2, $0x3;
	s22 =	simm.s32 $0xF0;
	s23 =	simm.s32 $0x1A40  }
0xf: {  	s0 =	sadd.s32 s9, s0;
	s24 =	sadd.s32 $0x27C00, s10;
	s9 =	sor.u32 $0x1C05, s25  }
0x10: {  	s15 =	smax.u32 s11, $0x1;
	s25 =	simm.s32 $0x1;
	[dreg:$0x4] =	wrdreg s24  }
0x11: {  	s26 =	sadd.s32 s7, s12;
	s31 =	sadd.s32 s1, s12;
	s12 =	sadd.s32 $0x1, s8  }
0x12: {  	s13 =	sadd.s32 $0x2, s8;
	s14 =	sadd.s32 $0x40C00, s0;
	[dreg:$0x5] =	wrdreg s26  }
0x13: {  	vm0 =	vmmov $0x1;
	v0 =	vimm.s32 $0x0;
	s24 =	simm.s32 $0x3840;
	[dreg:$0x6] =	wrdreg s31;
	s26 =	simm.s32 $0x2  }
.LBB2_1:
0x14: {  	s0 =	rddreg [dreg:$0x4]  }
0x15: {  	[spmem:s16], [sflag:s9] =	dma.local [hbm:s0], $0x1900  }
0x16: {  	_ =	swait.ge [sflag:s17], $0x1900  }
0x17: {  	[sflag:s17] =	ssyncset.done $0x0  }
0x18: {  	[sflag:s17] =	ssyncadd.s32 $0xFFFFE700  }
0x19: {  	[bflag:$0x0] =	sbarrier.arrive $0xFFFF  }
0x1a: {  	s10 =	rddreg [dreg:$0x5]  }
0x1b: {  	[tilespmem:s4], [sflag:$0x5] =	stream.linear.gather [hbm4b:s10+s4], $0x50, $0x38;
	[tilespmem:$0x10540] =	vst v63  }
0x1c: {  	_ =	swait.ge [sflag:s17], $0x50  }
0x1d: {  	[sflag:s17] =	ssyncset.done $0x0  }
0x1e: {  	s11 =	rddreg [dreg:$0x6];
	[sflag:s17] =	ssyncadd.s32 $0xFFFFFFB0  }
0x1f: {  	[tilespmem:s18], [sflag:$0x5] =	stream.linear.gather [hbm4b:s11+s4], $0x50, $0x38;
	[tilespmem:$0x10540] =	vst v63  }
0x20: {  	_ =	swait.ge [sflag:s17], $0x50  }
0x21: {  	[sflag:s17] =	ssyncset.done $0x0  }
0x22: {  	[sflag:s17] =	ssyncadd.s32 $0xFFFFFFB0  }
0x23: {  	[tilespmem:s19], [sflag:$0x1] =	stream.indirect.gather [hbm4b:s5+s18], $0x50, s4, s18, $0xb8;
	[tilespmem:$0x10540] =	vst v63  }
0x24: {  	s31 =	simm.s32 $0x0  }
0x25: {  	[tilespmem:s20], [sflag:$0x2] =	stream.indirect.gather [hbm4b:s6+s18], $0x10, s18, s18, $0xb8;
	[tilespmem:$0x10540] =	vst v63  }
.LBB2_2:
0x26: {  	s0 =	sshll.u32 s31, $0x1  }
0x27: {  	s2 =	sadd.s32 s0, s12  }
0x28: {  	s2 =	smul.u32 $0xA, s2;
	_ =	sdelay $0x1  }
0x29: {  	s10 =	simm.s32 $0x0;
	s8 =	sadd.s32 s7, s2  }
0x2a: {  	[tilespmem:s21], [sflag:$0x5] =	stream.linear.gather [hbm4b:s8+s10], $0x50, $0x38;
	[tilespmem:$0x10540] =	vst v63  }
0x2b: {  	_ =	swait.ge [sflag:s17], $0x50  }
0x2c: {  	[sflag:s17] =	ssyncset.done $0x0  }
0x2d: {  	s2 =	sadd.s32 s1, s2;
	[sflag:s17] =	ssyncadd.s32 $0xFFFFFFB0  }
0x2e: {  	[tilespmem:s22], [sflag:$0x5] =	stream.linear.gather [hbm4b:s2+s10], $0x50, $0x38;
	[tilespmem:$0x10540] =	vst v63  }
0x2f: {  	_ =	swait.ge [sflag:s17], $0x50  }
0x30: {  	[sflag:s17] =	ssyncset.done $0x0  }
0x31: {  	[sflag:s17] =	ssyncadd.s32 $0xFFFFFFB0  }
0x32: {  	[tilespmem:s23], [sflag:$0x3] =	stream.indirect.gather [hbm4b:s5+s18], $0x50, s21, s18, $0xb8;
	[tilespmem:$0x10540] =	vst v63  }
0x33: {  	_ = 	snop  }
0x34: {  	[tilespmem:s24], [sflag:$0x4] =	stream.indirect.gather [hbm4b:s6+s18], $0x10, s22, s18, $0xb8;
	[tilespmem:$0x10540] =	vst v63  }
0x35: {  	_ =	swait.ge [sflag:s25], $0x1900  }
0x36: {  	[sflag:s25] =	ssyncset.done $0x0  }
0x37: {  	[sflag:s25] =	ssyncadd.s32 $0xFFFFE700  }
0x38: {  	_ =	swait.ge [sflag:s26], $0x500  }
0x39: {  	[sflag:s26] =	ssyncset.done $0x0  }
0x3a: {  	s2 =	simm.s32 $0x160;
	[sflag:s26] =	ssyncadd.s32 $0xFFFFFB00  }
0x3b: {  	s11 =	simm.s32 $0x0;
	s8 =	simm.s32 $0x160;
	s10 =	simm.s32 $0x40;
	v1 =	vld [tilespmem:s2+$0x20]  }
.LBB2_3:
0x3c: {  	p0 =	sne.s32 s10, $0x13C0;
	v2 =	vld [tilespmem:s11+$0x3340];
	_ =	sdelay $0x4  }
0x3d: {  	v1 =	vadd.f32 v2, v1;
	_ =	sdelay $0x1  }
0x3e: {  	v2 =	vmul.f32 $2.000000030e-01, v1;
	_ =	sdelay $0x1  }
0x3f: {  	v1 =	vmax.f32 v1, v2  }
0x40: {  	v1 =	vmul.f32 $1.442695020e+00, v1;
	_ =	sdelay $0x1  }
0x41: {  	(erf) = vpow2.f32 v1;
	_ =	sdelay $0x4  }
0x42: {  	v1 =	vld [tilespmem:s2+$0xFFFFFFF0]  }
0x43: {  	v2 =	vld [tilespmem:s2+$0x10]  }
0x44: {  	v3 =	vld [tilespmem:s2+$0xFFFFFFE0]  }
0x45: {  	v4 =	vld [tilespmem:s2+$0x0]  }
0x46: {  	v5 =	vpop (erf)  }
0x47: {  	v6 =	vnsel vm0, $0x0, v5;
	v5 =	vperm.xlane v5, v0  }
0x48: {  	[tilespmem:s2+$0x20] =	vst v6  }
0x49: {  	v3 =	vmul.f32 v3, v5;
	v1 =	vmul.f32 v1, v5  }
.Ltmp0:
0x4a: {  	v2 =	vmul.f32 v2, v5;
	v4 =	vmul.f32 v4, v5;
	(pc) =	sbr.rel @p0 .LBB2_3-.Ltmp0, $4  }
0x4b: {  	[tilespmem:s2+$0xFFFFFFE0] =	vst v3  }
0x4c: {  	[tilespmem:s2+$0xFFFFFFF0] =	vst v1  }
0x4d: {  	s2 =	sadd.s32 $0x50, s2;
	[tilespmem:s8+$0x0] =	vst v4  }
0x4e: {  	s11 =	sshra.s32 s10, $0x2;
	s10 =	sadd.s32 $0x40, s10;
	v1 =	vld [tilespmem:s2+$0x20];
	[tilespmem:s8+$0x10] =	vst v2;
	s8 =	smov.u32 s2  }
0x4f: {  	v2 =	vld [tilespmem:s11+$0x3340];
	_ =	sdelay $0x4  }
0x50: {  	v1 =	vadd.f32 v2, v1;
	_ =	sdelay $0x1  }
0x51: {  	v2 =	vmul.f32 $2.000000030e-01, v1;
	_ =	sdelay $0x1  }
0x52: {  	v1 =	vmax.f32 v1, v2  }
0x53: {  	v1 =	vmul.f32 $1.442695020e+00, v1;
	_ =	sdelay $0x1  }
0x54: {  	(erf) = vpow2.f32 v1;
	_ =	sdelay $0x6  }
0x55: {  	v1 =	vld [tilespmem:s2+$0xFFFFFFE0]  }
0x56: {  	v2 =	vld [tilespmem:s2+$0xFFFFFFF0]  }
0x57: {  	v3 =	vld [tilespmem:s2+$0x0];
	v4 =	vpop (erf)  }
0x58: {  	v5 =	vld [tilespmem:s2+$0x10];
	v6 =	vperm.xlane v4, v0;
	_ =	sdelay $0x1  }
0x59: {  	v4 =	vnsel vm0, $0x0, v4;
	v1 =	vmul.f32 v1, v6  }
0x5a: {  	[tilespmem:s2+$0x20] =	vst v4;
	v2 =	vmul.f32 v2, v6  }
0x5b: {  	v3 =	vmul.f32 v3, v6;
	[tilespmem:s2+$0xFFFFFFE0] =	vst v1  }
0x5c: {  	v1 =	vmul.f32 v5, v6;
	[tilespmem:s2+$0xFFFFFFF0] =	vst v2  }
0x5d: {  	[tilespmem:s8+$0x0] =	vst v3  }
0x5e: {  	s0 =	sadd.s32 s0, s13;
	[tilespmem:s8+$0x10] =	vst v1  }
0x5f: {  	[spmem:s3] =	stream.indirect.scatter.add.f32 [tilespmem:s19], [sflag:$0x5], $0x50, s18, s18, $0xb8;
	[tilespmem:$0x10540] =	vst v63  }
0x60: {  	s0 =	smul.u32 $0xA, s0;
	_ =	swait.ge [sflag:s17], $0x1900  }
0x61: {  	[sflag:s17] =	ssyncset.done $0x0  }
0x62: {  	s11 =	simm.s32 $0x0;
	s10 =	sadd.s32 s7, s0;
	[sflag:s17] =	ssyncadd.s32 $0xFFFFE700  }
0x63: {  	[tilespmem:s11], [sflag:$0x5] =	stream.linear.gather [hbm4b:s10+s11], $0x50, $0x38;
	[tilespmem:$0x10540] =	vst v63  }
0x64: {  	_ =	swait.ge [sflag:s17], $0x50  }
0x65: {  	[sflag:s17] =	ssyncset.done $0x0  }
0x66: {  	s0 =	sadd.s32 s1, s0;
	[sflag:s17] =	ssyncadd.s32 $0xFFFFFFB0  }
0x67: {  	[tilespmem:s18], [sflag:$0x5] =	stream.linear.gather [hbm4b:s0+s11], $0x50, $0x38;
	[tilespmem:$0x10540] =	vst v63  }
0x68: {  	_ =	swait.ge [sflag:s17], $0x50  }
0x69: {  	[sflag:s17] =	ssyncset.done $0x0  }
0x6a: {  	[sflag:s17] =	ssyncadd.s32 $0xFFFFFFB0  }
0x6b: {  	[tilespmem:s19], [sflag:$0x1] =	stream.indirect.gather [hbm4b:s5+s18], $0x50, s11, s18, $0xb8;
	[tilespmem:$0x10540] =	vst v63  }
0x6c: {  	_ = 	snop  }
0x6d: {  	[tilespmem:s20], [sflag:$0x2] =	stream.indirect.gather [hbm4b:s6+s18], $0x10, s18, s18, $0xb8;
	[tilespmem:$0x10540] =	vst v63  }
0x6e: {  	_ =	swait.ge [sflag:s28], $0x1900  }
0x6f: {  	[sflag:s28] =	ssyncset.done $0x0  }
0x70: {  	[sflag:s28] =	ssyncadd.s32 $0xFFFFE700  }
0x71: {  	_ =	swait.ge [sflag:s29], $0x500  }
0x72: {  	[sflag:s29] =	ssyncset.done $0x0  }
0x73: {  	s0 =	simm.s32 $0x1A60;
	[sflag:s29] =	ssyncadd.s32 $0xFFFFFB00  }
0x74: {  	s2 =	simm.s32 $0x1A60;
	s8 =	simm.s32 $0x40;
	s10 =	simm.s32 $0x0;
	v1 =	vld [tilespmem:s0+$0x20]  }
.LBB2_5:
0x75: {  	p0 =	sne.s32 s8, $0x13C0;
	v2 =	vld [tilespmem:s10+$0x3840];
	_ =	sdelay $0x4  }
0x76: {  	v1 =	vadd.f32 v2, v1;
	_ =	sdelay $0x1  }
0x77: {  	v2 =	vmul.f32 $2.000000030e-01, v1;
	_ =	sdelay $0x1  }
0x78: {  	v1 =	vmax.f32 v1, v2  }
0x79: {  	v1 =	vmul.f32 $1.442695020e+00, v1;
	_ =	sdelay $0x1  }
0x7a: {  	(erf) = vpow2.f32 v1;
	_ =	sdelay $0x4  }
0x7b: {  	v1 =	vld [tilespmem:s0+$0xFFFFFFF0]  }
0x7c: {  	v2 =	vld [tilespmem:s0+$0x10]  }
0x7d: {  	v3 =	vld [tilespmem:s0+$0xFFFFFFE0]  }
0x7e: {  	v4 =	vld [tilespmem:s0+$0x0]  }
0x7f: {  	v5 =	vpop (erf)  }
0x80: {  	v6 =	vnsel vm0, $0x0, v5;
	v5 =	vperm.xlane v5, v0  }
0x81: {  	[tilespmem:s0+$0x20] =	vst v6  }
0x82: {  	v3 =	vmul.f32 v3, v5;
	v1 =	vmul.f32 v1, v5  }
.Ltmp1:
0x83: {  	v2 =	vmul.f32 v2, v5;
	v4 =	vmul.f32 v4, v5;
	(pc) =	sbr.rel @p0 .LBB2_5-.Ltmp1, $4  }
0x84: {  	[tilespmem:s0+$0xFFFFFFE0] =	vst v3  }
0x85: {  	[tilespmem:s0+$0xFFFFFFF0] =	vst v1  }
0x86: {  	s0 =	sadd.s32 $0x50, s0;
	[tilespmem:s2+$0x0] =	vst v4  }
0x87: {  	s10 =	sshra.s32 s8, $0x2;
	s8 =	sadd.s32 $0x40, s8;
	v1 =	vld [tilespmem:s0+$0x20];
	[tilespmem:s2+$0x10] =	vst v2;
	s2 =	smov.u32 s0  }
0x88: {  	v2 =	vld [tilespmem:s10+$0x3840];
	_ =	sdelay $0x4  }
0x89: {  	v1 =	vadd.f32 v2, v1;
	_ =	sdelay $0x1  }
0x8a: {  	v2 =	vmul.f32 $2.000000030e-01, v1;
	_ =	sdelay $0x1  }
0x8b: {  	v1 =	vmax.f32 v1, v2  }
0x8c: {  	v1 =	vmul.f32 $1.442695020e+00, v1;
	_ =	sdelay $0x1  }
0x8d: {  	(erf) = vpow2.f32 v1;
	_ =	sdelay $0x6  }
0x8e: {  	v1 =	vld [tilespmem:s0+$0xFFFFFFE0]  }
0x8f: {  	v2 =	vld [tilespmem:s0+$0xFFFFFFF0]  }
0x90: {  	v3 =	vld [tilespmem:s0+$0x0];
	v4 =	vpop (erf)  }
0x91: {  	v5 =	vld [tilespmem:s0+$0x10];
	v6 =	vperm.xlane v4, v0;
	_ =	sdelay $0x1  }
0x92: {  	v4 =	vnsel vm0, $0x0, v4;
	v1 =	vmul.f32 v1, v6  }
0x93: {  	[tilespmem:s0+$0x20] =	vst v4;
	v2 =	vmul.f32 v2, v6  }
0x94: {  	v3 =	vmul.f32 v3, v6;
	[tilespmem:s0+$0xFFFFFFE0] =	vst v1  }
0x95: {  	s31 =	sadd.s32 $0x1, s31;
	v1 =	vmul.f32 v5, v6;
	[tilespmem:s0+$0xFFFFFFF0] =	vst v2  }
0x96: {  	p0 =	sne.s32 s31, $0x3E;
	[tilespmem:s2+$0x0] =	vst v3  }
.Ltmp2:
0x97: {  	[tilespmem:s2+$0x10] =	vst v1;
	(pc) =	sbr.rel @p0 .LBB2_2-.Ltmp2, $4  }
0x98: {  	[spmem:s3] =	stream.indirect.scatter.add.f32 [tilespmem:s23], [sflag:$0x5], $0x50, s22, s18, $0xb8;
	[tilespmem:$0x10540] =	vst v63  }
0x99: {  	_ =	swait.ge [sflag:s17], $0x1900  }
0x9a: {  	[sflag:s17] =	ssyncset.done $0x0  }
0x9b: {  	[sflag:s17] =	ssyncadd.s32 $0xFFFFE700  }
0x9c: {  	_ =	swait.ge [sflag:s25], $0x1900  }
0x9d: {  	[sflag:s25] =	ssyncset.done $0x0  }
0x9e: {  	[sflag:s25] =	ssyncadd.s32 $0xFFFFE700  }
0x9f: {  	_ =	swait.ge [sflag:s26], $0x500  }
0xa0: {  	[sflag:s26] =	ssyncset.done $0x0  }
0xa1: {  	s0 =	simm.s32 $0x160;
	[sflag:s26] =	ssyncadd.s32 $0xFFFFFB00  }
0xa2: {  	s10 =	simm.s32 $0x0;
	s8 =	simm.s32 $0x40;
	s2 =	simm.s32 $0x160;
	v1 =	vld [tilespmem:s0+$0x20]  }
.LBB2_8:
0xa3: {  	p0 =	sne.s32 s8, $0x13C0;
	v2 =	vld [tilespmem:s10+$0x3340];
	_ =	sdelay $0x4  }
0xa4: {  	v1 =	vadd.f32 v2, v1;
	_ =	sdelay $0x1  }
0xa5: {  	v2 =	vmul.f32 $2.000000030e-01, v1;
	_ =	sdelay $0x1  }
0xa6: {  	v1 =	vmax.f32 v1, v2  }
0xa7: {  	v1 =	vmul.f32 $1.442695020e+00, v1;
	_ =	sdelay $0x1  }
0xa8: {  	(erf) = vpow2.f32 v1;
	_ =	sdelay $0x4  }
0xa9: {  	v1 =	vld [tilespmem:s0+$0xFFFFFFF0]  }
0xaa: {  	v2 =	vld [tilespmem:s0+$0x10]  }
0xab: {  	v3 =	vld [tilespmem:s0+$0xFFFFFFE0]  }
0xac: {  	v4 =	vld [tilespmem:s0+$0x0]  }
0xad: {  	v5 =	vpop (erf)  }
0xae: {  	v6 =	vnsel vm0, $0x0, v5;
	v5 =	vperm.xlane v5, v0  }
0xaf: {  	[tilespmem:s0+$0x20] =	vst v6  }
0xb0: {  	v3 =	vmul.f32 v3, v5;
	v1 =	vmul.f32 v1, v5  }
.Ltmp3:
0xb1: {  	v2 =	vmul.f32 v2, v5;
	v4 =	vmul.f32 v4, v5;
	(pc) =	sbr.rel @p0 .LBB2_8-.Ltmp3, $4  }
0xb2: {  	[tilespmem:s0+$0xFFFFFFE0] =	vst v3  }
0xb3: {  	[tilespmem:s0+$0xFFFFFFF0] =	vst v1  }
0xb4: {  	s0 =	sadd.s32 $0x50, s0;
	[tilespmem:s2+$0x0] =	vst v4  }
0xb5: {  	s10 =	sshra.s32 s8, $0x2;
	s8 =	sadd.s32 $0x40, s8;
	v1 =	vld [tilespmem:s0+$0x20];
	[tilespmem:s2+$0x10] =	vst v2;
	s2 =	smov.u32 s0  }
0xb6: {  	v2 =	vld [tilespmem:s10+$0x3340];
	_ =	sdelay $0x4  }
0xb7: {  	v1 =	vadd.f32 v2, v1;
	_ =	sdelay $0x1  }
0xb8: {  	v2 =	vmul.f32 $2.000000030e-01, v1;
	_ =	sdelay $0x1  }
0xb9: {  	v1 =	vmax.f32 v1, v2  }
0xba: {  	v1 =	vmul.f32 $1.442695020e+00, v1;
	_ =	sdelay $0x1  }
0xbb: {  	(erf) = vpow2.f32 v1;
	_ =	sdelay $0x6  }
0xbc: {  	v1 =	vld [tilespmem:s0+$0xFFFFFFE0]  }
0xbd: {  	v2 =	vld [tilespmem:s0+$0xFFFFFFF0]  }
0xbe: {  	v3 =	vld [tilespmem:s0+$0x0];
	v4 =	vpop (erf)  }
0xbf: {  	v5 =	vld [tilespmem:s0+$0x10];
	v6 =	vperm.xlane v4, v0;
	_ =	sdelay $0x1  }
0xc0: {  	v4 =	vnsel vm0, $0x0, v4;
	v1 =	vmul.f32 v1, v6  }
0xc1: {  	[tilespmem:s0+$0x20] =	vst v4;
	v2 =	vmul.f32 v2, v6  }
0xc2: {  	v3 =	vmul.f32 v3, v6;
	[tilespmem:s0+$0xFFFFFFE0] =	vst v1  }
0xc3: {  	v1 =	vmul.f32 v5, v6;
	[tilespmem:s0+$0xFFFFFFF0] =	vst v2  }
0xc4: {  	[tilespmem:s2+$0x0] =	vst v3  }
0xc5: {  	[tilespmem:s2+$0x10] =	vst v1  }
0xc6: {  	[spmem:s3] =	stream.indirect.scatter.add.f32 [tilespmem:s19], [sflag:$0x5], $0x50, s18, s18, $0xb8;
	[tilespmem:$0x10540] =	vst v63  }
0xc7: {  	_ =	swait.ge [sflag:s17], $0x1900  }
0xc8: {  	s30 =	sadd.s32 $0x1, s30;
	[sflag:s17] =	ssyncset.done $0x0  }
0xc9: {  	p0 =	sne.s32 s30, s15;
	[sflag:s17] =	ssyncadd.s32 $0xFFFFE700  }
.Ltmp4:
0xca: {  	[bflag:$0x0] =	sbarrier.arrive $0xFFFF;
	(pc) =	sbr.rel @p0 .LBB2_1-.Ltmp4, $4  }
0xcb: {  	[hbm:s14], [sflag:s9] =	dma.local [spmem:s16], $0x1900  }
0xcc: {  	_ =	swait.ge [sflag:s17], $0x1900  }
0xcd: {  	[sflag:s17] =	ssyncset.done $0x0  }
0xce: {  	[sflag:s17] =	ssyncadd.s32 $0xFFFFE700  }
0xcf: {  	_ =	sfence.sel $0x180000  }
0xd0: {  	[bflag:$0x0] =	sbarrier.arrive $0xFFFF  }
0xd1: {  	_ =	strace $0x9000004A  }
0xd2: {  	s0 =	stileid.u32;
	[bflag:$0x2] =	sbarrier.arrive $0xFFFF  }
0xd3: {  	p0 =	sne.s32 s0, $0x0;
	s0 =	rddreg [dreg:$0x3]  }
0xd4: {  	s0 =	sadd.s32 @!p0 $0x100000, s0  }
0xd5: {  	[sflag:s0] =	ssyncadd.tile.s32 @!p0 $0x1;
	_ =	shalt  }
.Lfunc_end2:
_tile_overlayer_lowered:
.L_overlay_start_2:
0xd6: {  	(tag) =	ssettag $0x2  }
0xd7: {  	s0 =	rddreg [dreg:$0x0];
	s2 =	stileid.u32  }
0xd8: {  	s1 =	rddreg [dreg:$0x1];
	p0 =	sne.s32 s2, $0x0  }
0xd9: {  	s3 =	rddreg [dreg:$0x2];
	[bflag:$0x3] =	sbarrier.arrive $0xFFFF;
	s2 =	simm.s32 @!p0 $0x1C05  }
0xda: {  	[timem:s3], [sflag:s2] =	dma.local @!p0 [hbm:s0], s1  }
0xdb: {  	s0 =	simm.s32 @!p0 $0x5  }
0xdc: {  	_ =	swait.ge @!p0 [sflag:s0], s1  }
0xdd: {  	s1 =	ssub.s32 @!p0 $0x0, s1;
	[sflag:s0] =	ssyncset.done @!p0 $0x0  }
0xde: {  	[sflag:s0] =	ssyncadd.s32 @!p0 s1  }
0xdf: {  	[bflag:$0x3] =	sbarrier.arrive $0xFFFF  }
0xe0: {  	_ =	shalt  }

// kernel: kernel.7.cloned.1.call-start
scs
__scs_entry_jumppad:
0x0: {  	(pc) =	sbr.rel $0x88, $3  }
0x1: {  	(tag) =	ssettag $0x0;
	lr =	simm.s32 $0x1  }
0x2: {  	[smem:$0x3F95] =	sst lr;
	_ =	strace $0xD0000000  }
0x3: {  	_ = 	snop  }
0x4: {  	_ = 	snop  }
0x5: {  	_ = 	snop  }
0x6: {  	_ = 	snop  }
0x7: {  	_ = 	snop  }
__scs_overlays_trampoline_lowered:
0x8: {  	[smem:$0x3FA4] =	sst s0  }
0x9: {  	[smem:$0x3FA5] =	sst s1  }
0xa: {  	[smem:$0x3FA6] =	sst s2  }
0xb: {  	[smem:$0x3FA7] =	sst s3  }
0xc: {  	[smem:$0x3FA8] =	sst s4  }
0xd: {  	[smem:$0x3FA9] =	sst s5  }
0xe: {  	[smem:$0x3FAA] =	sst s6  }
0xf: {  	[smem:$0x3FAB] =	sst s7  }
0x10: {  	[smem:$0x3FAC] =	sst s8  }
0x11: {  	[smem:$0x3FAD] =	sst s9;
	s0 =	simm.s32 @!p0 $0x0  }
0x12: {  	s1 =	sld [smem:$0x3F93];
	s0 =	simm.s32 @p0 $0x1  }
0x13: {  	[smem:$0x3FAE] =	sst s0;
	s0 =	simm.s32 @!p1 $0x0  }
0x14: {  	s2 =	sld [smem:$0x3F92];
	s0 =	simm.s32 @p1 $0x1  }
0x15: {  	[smem:$0x3FAF] =	sst s0;
	s0 =	simm.s32 @!p2 $0x0  }
0x16: {  	s3 =	sld [smem:$0x3FDB];
	s0 =	simm.s32 @p2 $0x1  }
0x17: {  	s4 =	simm.s32 $0x1BF5;
	[smem:$0x3FB1] =	sst s0  }
0x18: {  	s0 =	sld [smem:$0x3F94];
	_ =	swait.ge [sflag:s4], $0x0  }
0x19: {  	s7 =	sld [smem:$0x3F95]  }
0x1a: {  	s8 =	sadd.s32 $0xFFFFE003, lr  }
0x1b: {  	s9 =	sadd.s32 $0xFFFFFEF7, lr;
	s5 =	simm.s32 $0xFFFFFFFF;
	p2 =	slt.u32 s8, $0xFFFFF086  }
0x1c: {  	p1 =	slt.u32 s9, $0xF7A;
	s5 =	simm.s32 @!p2 $0x0  }
0x1d: {  	s5 =	simm.s32 @p1 $0x1;
	p0 =	seq.s32 s7, s2  }
0x1e: {  	s7 =	smul.u32 @!p0 $0xF7A, s2;
	p2 =	seq.s32 @!p0 s5, $0x0  }
0x1f: {  	s9 =	smul.u32 $0xF7A, s1;
	s8 =	simm.s32 @!p0 $0x1BF5;
	p2 =	por !p2, p0  }
0x20: {  	[sflag:s8] =	ssyncset.s32 @!p0 $0xFFFFF086;
	s6 =	sadd.s32 @!p0 s3, s7;
	s7 =	simm.s32 @!p0 $0x108  }
0x21: {  	s3 =	sadd.s32 s3, s9;
	s6 =	sadd.s32 @!p0 $0x88, s6;
	s7 =	simm.s32 @p2 $0x1082  }
0x22: {  	[simem:s7], [sflag:s8] =	dma.local @!p0 [hbm:s6], $0xF7A  }
0x23: {  	s9 =	sor.u32 $0xD0000000, s2;
	s6 =	simm.s32 $0x108;
	_ =	swait.ge @!p0 [sflag:s8], $0x0  }
0x24: {  	s3 =	sadd.s32 $0x88, s3;
	s6 =	simm.s32 @!p1 $0x1082;
	[sflag:s4] =	ssyncset.s32 $0xFFFFF086  }
0x25: {  	[simem:s6], [sflag:s4] =	dma.local [hbm:s3], $0xF7A  }
0x26: {  	[smem:$0x3F95] =	sst s1;
	(tag) =	ssettag s2;
	_ =	strace s9  }
0x27: {  	s1 =	sld [smem:$0x3FA5]  }
0x28: {  	s2 =	sld [smem:$0x3FA6]  }
0x29: {  	s4 =	sld [smem:$0x3FA8]  }
0x2a: {  	p0 =	seq.s32 s5, $0x0;
	s5 =	sld [smem:$0x3FA9]  }
0x2b: {  	s6 =	sld [smem:$0x3FAA]  }
0x2c: {  	s7 =	sld [smem:$0x3FAB]  }
0x2d: {  	s3 =	simm.s32 $0x108;
	s8 =	sld [smem:$0x3FAC]  }
0x2e: {  	s3 =	simm.s32 @!p0 $0x1082;
	s9 =	sld [smem:$0x3FAD]  }
0x2f: {  	lr =	sadd.s32 s0, s3;
	s0 =	sld [smem:$0x3FA4]  }
0x30: {  	s3 =	sld [smem:$0x3FA7]  }
0x31: {  	[smem:$0x3FB0] =	sst s10  }
0x32: {  	s10 =	sld [smem:$0x3FAE];
	_ =	sdelay $0x3  }
0x33: {  	p0 =	seq.s32 s10, $0x1;
	s10 =	sld [smem:$0x3FB0];
	_ =	sdelay $0x3  }
0x34: {  	[smem:$0x3FB0] =	sst s10  }
0x35: {  	s10 =	sld [smem:$0x3FAF];
	_ =	sdelay $0x3  }
0x36: {  	p1 =	seq.s32 s10, $0x1;
	s10 =	sld [smem:$0x3FB0];
	_ =	sdelay $0x3  }
0x37: {  	[smem:$0x3FB0] =	sst s10  }
0x38: {  	s10 =	sld [smem:$0x3FB1]  }
0x39: {  	_ = 	snop;
	(pc) =	sbr.ind lr, $3  }
0x3a: {  	_ = 	snop  }
0x3b: {  	_ = 	snop  }
0x3c: {  	p2 =	seq.s32 s10, $0x1;
	s10 =	sld [smem:$0x3FB0]  }
0x3d: {  	_ =	shalt  }
0x3e: {  	_ =	shalt  }
0x3f: {  	_ =	shalt  }
0x40: {  	_ =	shalt  }
0x41: {  	_ =	shalt  }
0x42: {  	_ =	shalt  }
0x43: {  	_ =	shalt  }
0x44: {  	_ =	shalt  }
0x45: {  	_ =	shalt  }
0x46: {  	_ =	shalt  }
0x47: {  	_ =	shalt  }
0x48: {  	_ =	shalt  }
0x49: {  	_ =	shalt  }
0x4a: {  	_ =	shalt  }
0x4b: {  	_ =	shalt  }
0x4c: {  	_ =	shalt  }
0x4d: {  	_ =	shalt  }
0x4e: {  	_ =	shalt  }
0x4f: {  	_ =	shalt  }
0x50: {  	_ =	shalt  }
0x51: {  	_ =	shalt  }
0x52: {  	_ =	shalt  }
0x53: {  	_ =	shalt  }
0x54: {  	_ =	shalt  }
0x55: {  	_ =	shalt  }
0x56: {  	_ =	shalt  }
0x57: {  	_ =	shalt  }
0x58: {  	_ =	shalt  }
0x59: {  	_ =	shalt  }
0x5a: {  	_ =	shalt  }
0x5b: {  	_ =	shalt  }
0x5c: {  	_ =	shalt  }
0x5d: {  	_ =	shalt  }
0x5e: {  	_ =	shalt  }
0x5f: {  	_ =	shalt  }
0x60: {  	_ =	shalt  }
0x61: {  	_ =	shalt  }
0x62: {  	_ =	shalt  }
0x63: {  	_ =	shalt  }
0x64: {  	_ =	shalt  }
0x65: {  	_ =	shalt  }
0x66: {  	_ =	shalt  }
0x67: {  	_ =	shalt  }
0x68: {  	_ =	shalt  }
0x69: {  	_ =	shalt  }
0x6a: {  	_ =	shalt  }
0x6b: {  	_ =	shalt  }
0x6c: {  	_ =	shalt  }
0x6d: {  	_ =	shalt  }
0x6e: {  	_ =	shalt  }
0x6f: {  	_ =	shalt  }
0x70: {  	_ =	shalt  }
0x71: {  	_ =	shalt  }
0x72: {  	_ =	shalt  }
0x73: {  	_ =	shalt  }
0x74: {  	_ =	shalt  }
0x75: {  	_ =	shalt  }
0x76: {  	_ =	shalt  }
0x77: {  	_ =	shalt  }
0x78: {  	_ =	shalt  }
0x79: {  	_ =	shalt  }
0x7a: {  	_ =	shalt  }
0x7b: {  	_ =	shalt  }
0x7c: {  	_ =	shalt  }
0x7d: {  	_ =	shalt  }
0x7e: {  	_ =	shalt  }
0x7f: {  	_ =	shalt  }
0x80: {  	_ =	shalt  }
0x81: {  	_ =	shalt  }
0x82: {  	_ =	shalt  }
0x83: {  	_ =	shalt  }
0x84: {  	_ =	shalt  }
0x85: {  	_ =	shalt  }
0x86: {  	_ =	shalt  }
0x87: {  	_ =	shalt  }
.Lfunc_end0:
.L_simem_size_0:
called_computation_lowered:
.L_overlay_start_0:
0x88: {  	s2 =	sld [smem:$0x3FD9]  }
0x89: {  	s3 =	sld [smem:$0x3FFE];
	_ =	sdelay $0x1  }
0x8a: {  	s1 =	srdreg.scid  }
0x8b: {  	s0 =	sand.u32 $0x1, s1  }
0x8c: {  	s17 =	sshll.u32 s0, $0xA;
	s2 =	sadd.s32 s3, s2  }
0x8d: {  	s2 =	sadd.s32 s2, s17  }
0x8e: {  	[smem:$0x3FBC] =	sst s2  }
0x8f: {  	_ = 	snop  }
0x90: {  	s2 =	sld [smem:$0x3FD0];
	(tm) =	ssettm $0x1  }
0x91: {  	s18 =	sld [smem:$0x3FFB];
	_ =	sdelay $0x3  }
0x92: {  	_ =	strace s18  }
0x93: {  	s3 =	sld [smem:$0x3FFC];
	_ =	sdelay $0x3  }
0x94: {  	_ =	strace s3  }
0x95: {  	s3 =	sld [smem:$0x3FFD];
	_ =	sdelay $0x3  }
0x96: {  	_ =	strace s3  }
0x97: {  	_ =	strace $0x8FFFFFFF  }
0x98: {  	s19 =	sld [smem:$0x3FDB];
	_ =	sdelay $0x1  }
0x99: {  	s4 =	simm.s32 $_scs_section_size  }
0x9a: {  	s5 =	simm.s32 $_size__tile_overlayer_lowered;
	s6 =	simm.s32 $_tile_overlayer_lowered  }
0x9b: {  	s22 =	simm.s32 $0x1BFF;
	s21 =	sshll.u32 s6, $0x1;
	s3 =	sadd.s32 s4, s19  }
0x9c: {  	s7 =	simm.s32 $0x0;
	s20 =	sshll.u32 s5, $0x1;
	s5 =	sadd.s32 s21, s3  }
0x9d: {  	[timem:s7], [sflag:s22] =	dma.local [hbm:s5], s20  }
0x9e: {  	_ =	swait.ge [sflag:s22], s20  }
0x9f: {  	s4 =	ssub.s32 $0x0, s20;
	[sflag:s22] =	ssyncset.done $0x0  }
0xa0: {  	[sflag:s22] =	ssyncadd.s32 s4;
	_ =	sdelay $0x1  }
0xa1: {  	s23 =	simm.s32 $0x1B8B  }
0xa2: {  	_ =	swait.ge [sflag:s23], $0x1  }
0xa3: {  	[sflag:s23] =	ssyncset.done $0x0  }
0xa4: {  	s25 =	simm.s32 $0x1B8E;
	s24 =	sld [smem:$0x3FFE];
	[sflag:s23] =	ssyncadd.s32 $0xFFFFFFFF  }
0xa5: {  	s26 =	simm.s32 $execute0_lowered;
	[smem:$0x3FD2] =	sst s25  }
0xa6: {  	s5 =	sshll.u32 s26, $0x1;
	_ =	strace $0x80000046;
	[dreg:$0x1] =	wrdreg $0xFFFFFFFF  }
0xa7: {  	s28 =	simm.s32 $_size_execute0_lowered;
	s3 =	sadd.s32 s3, s5;
	[dreg:$0x0] =	wrdreg $0x0  }
0xa8: {  	s5 =	sshll.u32 s28, $0x1;
	[dreg:$0x2] =	wrdreg s3  }
0xa9: {  	[dreg:$0x3] =	wrdreg s5  }
0xaa: {  	[dreg:$0x4] =	wrdreg $0xC0  }
0xab: {  	_ =	task [dreg:s7], $0x5FFFF  }
0xac: {  	[dreg:$0x1] =	wrdreg $0xFFFFFFFF  }
0xad: {  	[dreg:$0x0] =	wrdreg $0x60  }
0xae: {  	[dreg:$0x2] =	wrdreg s24  }
0xaf: {  	[dreg:$0x3] =	wrdreg s2  }
0xb0: {  	[dreg:$0x4] =	wrdreg $0x65400  }
0xb1: {  	[dreg:$0x5] =	wrdreg $0x9  }
0xb2: {  	_ =	task.clear_ibuf [dreg:s7], $0x6FFFF;
	_ =	strace $0x90000046  }
0xb3: {  	s29 =	simm.s32 $0x9;
	_ =	strace $0x80000048  }
0xb4: {  	_ =	swait.ge [sflag:s29], $0x1  }
0xb5: {  	[sflag:s29] =	ssyncadd.s32 $0xFFFFFFFF  }
0xb6: {  	_ =	strace $0x90000048  }
0xb7: {  	_ =	sfence  }
0xb8: {  	s30 =	sld [smem:$0x0];
	_ =	sdelay $0x2  }
0xb9: {  	s31 =	sshll.u32 s1, $0xD;
	s1 =	sshrl.u32 s1, $0x2  }
0xba: {  	s3 =	sand.u32 $0x4000, s31;
	s1 =	sadd.s32 s1, s30  }
0xbb: {  	s0 =	sor.u32 s3, s0;
	s1 =	sshll.u32 s1, $0x11  }
0xbc: {  	s0 =	sor.u32 s1, s0  }
0xbd: {  	s0 =	sadd.s32 $0x8F2B, s0  }
0xbe: {  	[sflag:s0] =	ssyncadd.remote.s32 $0x1  }
0xbf: {  	_ =	sfence.sel $0xFFFF  }
0xc0: {  	[dreg:$0x0] =	wrdreg $0xFFFFFFFF;
	(pc) =	sbr.abs _section_cstart, $3  }
0xc1: {  	[dreg:$0x1] =	wrdreg $0xFFFFFFFF  }
0xc2: {  	_ =	task.clear_ibuf [dreg:s7], $0x2FFFF;
	_ =	strace $0x9FFFFFFF  }
0xc3: {  	(tm) =	ssettm $0x7FFFFFFF  }
tec
execute0_lowered:
.L_overlay_start_1:
0x0: {  	(tag) =	ssettag $0x1  }
0x1: {  	s0 =	rddreg [dreg:$0x0]  }
0x2: {  	s1 =	rddreg [dreg:$0x1]  }
0x3: {  	s3 =	rddreg [dreg:$0x2];
	s4 =	simm.s32 $0x0;
	s13 =	stileid.u32  }
0x4: {  	s5 =	srdreg.scid;
	s17 =	simm.s32 $0x5;
	s18 =	simm.s32 $0x50  }
0x5: {  	s19 =	simm.s32 $0x140;
	s20 =	simm.s32 $0x5B40;
	s21 =	simm.s32 $0xA0  }
0x6: {  	s28 =	simm.s32 $0x3;
	s29 =	simm.s32 $0x4;
	s30 =	simm.s32 $0x0  }
0x7: {  	[smem:$0x7FF] =	sst s4;
	s2 =	smul.u32 $0x16800, s13;
	s8 =	sand.u32 $0x1, s5  }
0x8: {  	s9 =	smul.u32 $0x2D00, s13;
	s5 =	sadd.s32 $0xA400, s0;
	s6 =	sadd.s32 $0x36400, s0  }
0x9: {  	s7 =	sadd.s32 $0x600, s0;
	s25 =	sshll.u32 s13, $0x6;
	_ =	strace $0x80000047  }
0xa: {  	s11 =	smul.u32 $0x2D000, s8;
	s22 =	ssub.s32 $0x2, s8;
	s8 =	sshll.u32 s8, $0x4  }
0xb: {  	s10 =	sshrl.u32 s2, $0x3;
	s23 =	sshrl.u32 s22, $0x1;
	s8 =	sor.u32 s13, s8  }
0xc: {  	s2 =	sadd.s32 s2, s3;
	s10 =	sadd.s32 s10, s0;
	s12 =	smul.u32 $0x4E2, s8  }
0xd: {  	s9 =	sadd.s32 s9, s11;
	s11 =	ssub.s32 s22, s23;
	s8 =	smul.u32 $0x7D, s8  }
0xe: {  	s16 =	sshrl.u32 s2, $0x3;
	s22 =	simm.s32 $0xF0;
	s23 =	simm.s32 $0x2E40  }
0xf: {  	s0 =	sadd.s32 s9, s0;
	s24 =	sadd.s32 $0x3B400, s10;
	s9 =	sor.u32 $0x1C05, s25  }
0x10: {  	s15 =	smax.u32 s11, $0x1;
	s25 =	simm.s32 $0x1;
	[dreg:$0x4] =	wrdreg s24  }
0x11: {  	s26 =	sadd.s32 s7, s12;
	s31 =	sadd.s32 s1, s12;
	s12 =	sadd.s32 $0x1, s8  }
0x12: {  	s13 =	sadd.s32 $0x2, s8;
	s14 =	sadd.s32 $0x68400, s0;
	[dreg:$0x5] =	wrdreg s26  }
0x13: {  	vm0 =	vmmov $0x3;
	v0 =	vimm.s32 $0x0;
	v1 =	vimm.s32 $0x1;
	s24 =	simm.s32 $0x6040;
	[dreg:$0x6] =	wrdreg s31;
	s26 =	simm.s32 $0x2  }
.LBB2_1:
0x14: {  	s0 =	rddreg [dreg:$0x4]  }
0x15: {  	[spmem:s16], [sflag:s9] =	dma.local [hbm:s0], $0x2D00  }
0x16: {  	_ =	swait.ge [sflag:s17], $0x2D00  }
0x17: {  	[sflag:s17] =	ssyncset.done $0x0  }
0x18: {  	[sflag:s17] =	ssyncadd.s32 $0xFFFFD300  }
0x19: {  	[bflag:$0x0] =	sbarrier.arrive $0xFFFF  }
0x1a: {  	s10 =	rddreg [dreg:$0x5]  }
0x1b: {  	[tilespmem:s4], [sflag:$0x5] =	stream.linear.gather [hbm4b:s10+s4], $0x50, $0x38;
	[tilespmem:$0x1CD40] =	vst v63  }
0x1c: {  	_ =	swait.ge [sflag:s17], $0x50  }
0x1d: {  	[sflag:s17] =	ssyncset.done $0x0  }
0x1e: {  	s11 =	rddreg [dreg:$0x6];
	[sflag:s17] =	ssyncadd.s32 $0xFFFFFFB0  }
0x1f: {  	[tilespmem:s18], [sflag:$0x5] =	stream.linear.gather [hbm4b:s11+s4], $0x50, $0x38;
	[tilespmem:$0x1CD40] =	vst v63  }
0x20: {  	_ =	swait.ge [sflag:s17], $0x50  }
0x21: {  	[sflag:s17] =	ssyncset.done $0x0  }
0x22: {  	[sflag:s17] =	ssyncadd.s32 $0xFFFFFFB0  }
0x23: {  	[tilespmem:s19], [sflag:$0x1] =	stream.indirect.gather [hbm4b:s5+s18], $0x90, s4, s18, $0xb8;
	[tilespmem:$0x1CD40] =	vst v63  }
0x24: {  	s31 =	simm.s32 $0x0  }
0x25: {  	[tilespmem:s20], [sflag:$0x2] =	stream.indirect.gather [hbm4b:s6+s18], $0x10, s18, s18, $0xb8;
	[tilespmem:$0x1CD40] =	vst v63  }
.LBB2_2:
0x26: {  	s0 =	sshll.u32 s31, $0x1  }
0x27: {  	s2 =	sadd.s32 s0, s12  }
0x28: {  	s2 =	smul.u32 $0xA, s2;
	_ =	sdelay $0x1  }
0x29: {  	s10 =	simm.s32 $0x0;
	s8 =	sadd.s32 s7, s2  }
0x2a: {  	[tilespmem:s21], [sflag:$0x5] =	stream.linear.gather [hbm4b:s8+s10], $0x50, $0x38;
	[tilespmem:$0x1CD40] =	vst v63  }
0x2b: {  	_ =	swait.ge [sflag:s17], $0x50  }
0x2c: {  	[sflag:s17] =	ssyncset.done $0x0  }
0x2d: {  	s2 =	sadd.s32 s1, s2;
	[sflag:s17] =	ssyncadd.s32 $0xFFFFFFB0  }
0x2e: {  	[tilespmem:s22], [sflag:$0x5] =	stream.linear.gather [hbm4b:s2+s10], $0x50, $0x38;
	[tilespmem:$0x1CD40] =	vst v63  }
0x2f: {  	_ =	swait.ge [sflag:s17], $0x50  }
0x30: {  	[sflag:s17] =	ssyncset.done $0x0  }
0x31: {  	[sflag:s17] =	ssyncadd.s32 $0xFFFFFFB0  }
0x32: {  	[tilespmem:s23], [sflag:$0x3] =	stream.indirect.gather [hbm4b:s5+s18], $0x90, s21, s18, $0xb8;
	[tilespmem:$0x1CD40] =	vst v63  }
0x33: {  	_ = 	snop  }
0x34: {  	[tilespmem:s24], [sflag:$0x4] =	stream.indirect.gather [hbm4b:s6+s18], $0x10, s22, s18, $0xb8;
	[tilespmem:$0x1CD40] =	vst v63  }
0x35: {  	_ =	swait.ge [sflag:s25], $0x2D00  }
0x36: {  	[sflag:s25] =	ssyncset.done $0x0  }
0x37: {  	[sflag:s25] =	ssyncadd.s32 $0xFFFFD300  }
0x38: {  	_ =	swait.ge [sflag:s26], $0x500  }
0x39: {  	[sflag:s26] =	ssyncset.done $0x0  }
0x3a: {  	s2 =	simm.s32 $0x180;
	[sflag:s26] =	ssyncadd.s32 $0xFFFFFB00  }
0x3b: {  	s11 =	simm.s32 $0x0;
	s8 =	simm.s32 $0x180;
	s10 =	simm.s32 $0x40;
	v2 =	vld [tilespmem:s2+$0x40]  }
.LBB2_3:
0x3c: {  	p0 =	sne.s32 s10, $0x13C0;
	v3 =	vld [tilespmem:s11+$0x5B40];
	_ =	sdelay $0x4  }
0x3d: {  	v2 =	vadd.f32 v3, v2;
	_ =	sdelay $0x1  }
0x3e: {  	v3 =	vmul.f32 $2.000000030e-01, v2;
	_ =	sdelay $0x1  }
0x3f: {  	v2 =	vmax.f32 v2, v3  }
0x40: {  	v2 =	vmul.f32 $1.442695020e+00, v2;
	_ =	sdelay $0x1  }
0x41: {  	(erf) = vpow2.f32 v2;
	_ =	sdelay $0x2  }
0x42: {  	v2 =	vld [tilespmem:s2+$0xFFFFFFF0]  }
0x43: {  	v3 =	vld [tilespmem:s2+$0x30]  }
0x44: {  	v4 =	vld [tilespmem:s2+$0x10]  }
0x45: {  	v5 =	vld [tilespmem:s2+$0xFFFFFFD0]  }
0x46: {  	v6 =	vld [tilespmem:s2+$0xFFFFFFC0]  }
0x47: {  	v7 =	vld [tilespmem:s2+$0xFFFFFFE0]  }
0x48: {  	v8 =	vld [tilespmem:s2+$0x0];
	v9 =	vpop (erf)  }
0x49: {  	v10 =	vnsel vm0, $0x0, v9;
	v11 =	vperm.xlane v9, v0;
	v9 =	vperm.xlane v9, v1;
	v12 =	vld [tilespmem:s2+$0x20]  }
0x4a: {  	[tilespmem:s2+$0x40] =	vst v10  }
0x4b: {  	v6 =	vmul.f32 v6, v11;
	v5 =	vmul.f32 v5, v11  }
0x4c: {  	v2 =	vmul.f32 v2, v11;
	v7 =	vmul.f32 v7, v11  }
0x4d: {  	v4 =	vmul.f32 v4, v9;
	[tilespmem:s2+$0xFFFFFFC0] =	vst v6;
	v6 =	vmul.f32 v8, v9  }
0x4e: {  	v3 =	vmul.f32 v3, v9;
	[tilespmem:s2+$0xFFFFFFD0] =	vst v5;
	v5 =	vmul.f32 v12, v9  }
0x4f: {  	[tilespmem:s2+$0xFFFFFFE0] =	vst v7  }
.Ltmp0:
0x50: {  	[tilespmem:s2+$0xFFFFFFF0] =	vst v2;
	(pc) =	sbr.rel @p0 .LBB2_3-.Ltmp0, $4  }
0x51: {  	[tilespmem:s2+$0x0] =	vst v6  }
0x52: {  	[tilespmem:s2+$0x10] =	vst v4  }
0x53: {  	s2 =	sadd.s32 $0x90, s2;
	[tilespmem:s8+$0x20] =	vst v5  }
0x54: {  	s11 =	sshra.s32 s10, $0x2;
	s10 =	sadd.s32 $0x40, s10;
	v2 =	vld [tilespmem:s2+$0x40];
	[tilespmem:s8+$0x30] =	vst v3;
	s8 =	smov.u32 s2  }
0x55: {  	v3 =	vld [tilespmem:s11+$0x5B40];
	_ =	sdelay $0x4  }
0x56: {  	v2 =	vadd.f32 v3, v2;
	_ =	sdelay $0x1  }
0x57: {  	v3 =	vmul.f32 $2.000000030e-01, v2;
	_ =	sdelay $0x1  }
0x58: {  	v2 =	vmax.f32 v2, v3  }
0x59: {  	v2 =	vmul.f32 $1.442695020e+00, v2;
	_ =	sdelay $0x1  }
0x5a: {  	(erf) = vpow2.f32 v2;
	_ =	sdelay $0x6  }
0x5b: {  	v4 =	vld [tilespmem:s2+$0xFFFFFFC0]  }
0x5c: {  	v5 =	vld [tilespmem:s2+$0xFFFFFFD0]  }
0x5d: {  	v6 =	vld [tilespmem:s2+$0xFFFFFFE0];
	v7 =	vpop (erf)  }
0x5e: {  	v2 =	vld [tilespmem:s2+$0xFFFFFFF0];
	v9 =	vperm.xlane v7, v0  }
0x5f: {  	v10 =	vld [tilespmem:s2+$0x0]  }
0x60: {  	v8 =	vld [tilespmem:s2+$0x10];
	v11 =	vnsel vm0, $0x0, v7;
	v4 =	vmul.f32 v4, v9  }
0x61: {  	v3 =	vld [tilespmem:s2+$0x30];
	[tilespmem:s2+$0x40] =	vst v11;
	v5 =	vmul.f32 v5, v9  }
0x62: {  	v12 =	vld [tilespmem:s2+$0x20];
	v7 =	vperm.xlane v7, v1;
	v6 =	vmul.f32 v6, v9;
	[tilespmem:s2+$0xFFFFFFC0] =	vst v4  }
0x63: {  	v2 =	vmul.f32 v2, v9;
	[tilespmem:s2+$0xFFFFFFD0] =	vst v5  }
0x64: {  	v62 =	vmul.f32 v10, v7;
	[tilespmem:s2+$0xFFFFFFE0] =	vst v6  }
0x65: {  	v63 =	vmul.f32 v8, v7;
	[tilespmem:s2+$0xFFFFFFF0] =	vst v2  }
0x66: {  	v3 =	vmul.f32 v3, v7;
	[tilespmem:s2+$0x0] =	vst v62  }
0x67: {  	v2 =	vmul.f32 v12, v7;
	[tilespmem:s2+$0x10] =	vst v63  }
0x68: {  	[tilespmem:s8+$0x30] =	vst v3  }
0x69: {  	s0 =	sadd.s32 s0, s13;
	[tilespmem:s8+$0x20] =	vst v2  }
0x6a: {  	[spmem:s3] =	stream.indirect.scatter.add.f32 [tilespmem:s19], [sflag:$0x5], $0x90, s18, s18, $0xb8;
	[tilespmem:$0x1CD40] =	vst v63  }
0x6b: {  	s0 =	smul.u32 $0xA, s0;
	_ =	swait.ge [sflag:s17], $0x2D00  }
0x6c: {  	[sflag:s17] =	ssyncset.done $0x0  }
0x6d: {  	s11 =	simm.s32 $0x0;
	s10 =	sadd.s32 s7, s0;
	[sflag:s17] =	ssyncadd.s32 $0xFFFFD300  }
0x6e: {  	[tilespmem:s11], [sflag:$0x5] =	stream.linear.gather [hbm4b:s10+s11], $0x50, $0x38;
	[tilespmem:$0x1CD40] =	vst v63  }
0x6f: {  	_ =	swait.ge [sflag:s17], $0x50  }
0x70: {  	[sflag:s17] =	ssyncset.done $0x0  }
0x71: {  	s0 =	sadd.s32 s1, s0;
	[sflag:s17] =	ssyncadd.s32 $0xFFFFFFB0  }
0x72: {  	[tilespmem:s18], [sflag:$0x5] =	stream.linear.gather [hbm4b:s0+s11], $0x50, $0x38;
	[tilespmem:$0x1CD40] =	vst v63  }
0x73: {  	_ =	swait.ge [sflag:s17], $0x50  }
0x74: {  	[sflag:s17] =	ssyncset.done $0x0  }
0x75: {  	[sflag:s17] =	ssyncadd.s32 $0xFFFFFFB0  }
0x76: {  	[tilespmem:s19], [sflag:$0x1] =	stream.indirect.gather [hbm4b:s5+s18], $0x90, s11, s18, $0xb8;
	[tilespmem:$0x1CD40] =	vst v63  }
0x77: {  	_ = 	snop  }
0x78: {  	[tilespmem:s20], [sflag:$0x2] =	stream.indirect.gather [hbm4b:s6+s18], $0x10, s18, s18, $0xb8;
	[tilespmem:$0x1CD40] =	vst v63  }
0x79: {  	_ =	swait.ge [sflag:s28], $0x2D00  }
0x7a: {  	[sflag:s28] =	ssyncset.done $0x0  }
0x7b: {  	[sflag:s28] =	ssyncadd.s32 $0xFFFFD300  }
0x7c: {  	_ =	swait.ge [sflag:s29], $0x500  }
0x7d: {  	[sflag:s29] =	ssyncset.done $0x0  }
0x7e: {  	s0 =	simm.s32 $0x2E80;
	[sflag:s29] =	ssyncadd.s32 $0xFFFFFB00  }
0x7f: {  	s2 =	simm.s32 $0x2E80;
	s8 =	simm.s32 $0x40;
	s10 =	simm.s32 $0x0;
	v2 =	vld [tilespmem:s0+$0x40]  }
.LBB2_5:
0x80: {  	p0 =	sne.s32 s8, $0x13C0;
	v3 =	vld [tilespmem:s10+$0x6040];
	_ =	sdelay $0x4  }
0x81: {  	v2 =	vadd.f32 v3, v2;
	_ =	sdelay $0x1  }
0x82: {  	v3 =	vmul.f32 $2.000000030e-01, v2;
	_ =	sdelay $0x1  }
0x83: {  	v2 =	vmax.f32 v2, v3  }
0x84: {  	v2 =	vmul.f32 $1.442695020e+00, v2;
	_ =	sdelay $0x1  }
0x85: {  	(erf) = vpow2.f32 v2;
	_ =	sdelay $0x2  }
0x86: {  	v2 =	vld [tilespmem:s0+$0xFFFFFFF0]  }
0x87: {  	v3 =	vld [tilespmem:s0+$0x30]  }
0x88: {  	v4 =	vld [tilespmem:s0+$0x10]  }
0x89: {  	v5 =	vld [tilespmem:s0+$0xFFFFFFD0]  }
0x8a: {  	v6 =	vld [tilespmem:s0+$0xFFFFFFC0]  }
0x8b: {  	v7 =	vld [tilespmem:s0+$0xFFFFFFE0]  }
0x8c: {  	v8 =	vld [tilespmem:s0+$0x0];
	v9 =	vpop (erf)  }
0x8d: {  	v10 =	vnsel vm0, $0x0, v9;
	v11 =	vperm.xlane v9, v0;
	v9 =	vperm.xlane v9, v1;
	v12 =	vld [tilespmem:s0+$0x20]  }
0x8e: {  	[tilespmem:s0+$0x40] =	vst v10  }
0x8f: {  	v6 =	vmul.f32 v6, v11;
	v5 =	vmul.f32 v5, v11  }
0x90: {  	v2 =	vmul.f32 v2, v11;
	v7 =	vmul.f32 v7, v11  }
0x91: {  	v4 =	vmul.f32 v4, v9;
	[tilespmem:s0+$0xFFFFFFC0] =	vst v6;
	v6 =	vmul.f32 v8, v9  }
0x92: {  	v3 =	vmul.f32 v3, v9;
	[tilespmem:s0+$0xFFFFFFD0] =	vst v5;
	v5 =	vmul.f32 v12, v9  }
0x93: {  	[tilespmem:s0+$0xFFFFFFE0] =	vst v7  }
.Ltmp1:
0x94: {  	[tilespmem:s0+$0xFFFFFFF0] =	vst v2;
	(pc) =	sbr.rel @p0 .LBB2_5-.Ltmp1, $4  }
0x95: {  	[tilespmem:s0+$0x0] =	vst v6  }
0x96: {  	[tilespmem:s0+$0x10] =	vst v4  }
0x97: {  	s0 =	sadd.s32 $0x90, s0;
	[tilespmem:s2+$0x20] =	vst v5  }
0x98: {  	s10 =	sshra.s32 s8, $0x2;
	s8 =	sadd.s32 $0x40, s8;
	v2 =	vld [tilespmem:s0+$0x40];
	[tilespmem:s2+$0x30] =	vst v3;
	s2 =	smov.u32 s0  }
0x99: {  	v3 =	vld [tilespmem:s10+$0x6040];
	_ =	sdelay $0x4  }
0x9a: {  	v2 =	vadd.f32 v3, v2;
	_ =	sdelay $0x1  }
0x9b: {  	v3 =	vmul.f32 $2.000000030e-01, v2;
	_ =	sdelay $0x1  }
0x9c: {  	v2 =	vmax.f32 v2, v3  }
0x9d: {  	v2 =	vmul.f32 $1.442695020e+00, v2;
	_ =	sdelay $0x1  }
0x9e: {  	(erf) = vpow2.f32 v2;
	_ =	sdelay $0x6  }
0x9f: {  	v4 =	vld [tilespmem:s0+$0xFFFFFFC0]  }
0xa0: {  	v5 =	vld [tilespmem:s0+$0xFFFFFFD0]  }
0xa1: {  	v6 =	vld [tilespmem:s0+$0xFFFFFFE0];
	v7 =	vpop (erf)  }
0xa2: {  	v2 =	vld [tilespmem:s0+$0xFFFFFFF0];
	v9 =	vperm.xlane v7, v0  }
0xa3: {  	v10 =	vld [tilespmem:s0+$0x0]  }
0xa4: {  	v8 =	vld [tilespmem:s0+$0x10];
	v11 =	vnsel vm0, $0x0, v7;
	v4 =	vmul.f32 v4, v9  }
0xa5: {  	v3 =	vld [tilespmem:s0+$0x30];
	[tilespmem:s0+$0x40] =	vst v11;
	v5 =	vmul.f32 v5, v9  }
0xa6: {  	v12 =	vld [tilespmem:s0+$0x20];
	v7 =	vperm.xlane v7, v1;
	v6 =	vmul.f32 v6, v9;
	[tilespmem:s0+$0xFFFFFFC0] =	vst v4  }
0xa7: {  	v2 =	vmul.f32 v2, v9;
	[tilespmem:s0+$0xFFFFFFD0] =	vst v5  }
0xa8: {  	v62 =	vmul.f32 v10, v7;
	[tilespmem:s0+$0xFFFFFFE0] =	vst v6  }
0xa9: {  	v63 =	vmul.f32 v8, v7;
	[tilespmem:s0+$0xFFFFFFF0] =	vst v2  }
0xaa: {  	v3 =	vmul.f32 v3, v7;
	[tilespmem:s0+$0x0] =	vst v62  }
0xab: {  	s31 =	sadd.s32 $0x1, s31;
	v2 =	vmul.f32 v12, v7;
	[tilespmem:s0+$0x10] =	vst v63  }
0xac: {  	p0 =	sne.s32 s31, $0x3E;
	[tilespmem:s2+$0x30] =	vst v3  }
.Ltmp2:
0xad: {  	[tilespmem:s2+$0x20] =	vst v2;
	(pc) =	sbr.rel @p0 .LBB2_2-.Ltmp2, $4  }
0xae: {  	[spmem:s3] =	stream.indirect.scatter.add.f32 [tilespmem:s23], [sflag:$0x5], $0x90, s22, s18, $0xb8;
	[tilespmem:$0x1CD40] =	vst v63  }
0xaf: {  	_ =	swait.ge [sflag:s17], $0x2D00  }
0xb0: {  	[sflag:s17] =	ssyncset.done $0x0  }
0xb1: {  	[sflag:s17] =	ssyncadd.s32 $0xFFFFD300  }
0xb2: {  	_ =	swait.ge [sflag:s25], $0x2D00  }
0xb3: {  	[sflag:s25] =	ssyncset.done $0x0  }
0xb4: {  	[sflag:s25] =	ssyncadd.s32 $0xFFFFD300  }
0xb5: {  	_ =	swait.ge [sflag:s26], $0x500  }
0xb6: {  	[sflag:s26] =	ssyncset.done $0x0  }
0xb7: {  	s0 =	simm.s32 $0x180;
	[sflag:s26] =	ssyncadd.s32 $0xFFFFFB00  }
0xb8: {  	s10 =	simm.s32 $0x0;
	s8 =	simm.s32 $0x40;
	s2 =	simm.s32 $0x180;
	v2 =	vld [tilespmem:s0+$0x40]  }
.LBB2_8:
0xb9: {  	p0 =	sne.s32 s8, $0x13C0;
	v3 =	vld [tilespmem:s10+$0x5B40];
	_ =	sdelay $0x4  }
0xba: {  	v2 =	vadd.f32 v3, v2;
	_ =	sdelay $0x1  }
0xbb: {  	v3 =	vmul.f32 $2.000000030e-01, v2;
	_ =	sdelay $0x1  }
0xbc: {  	v2 =	vmax.f32 v2, v3  }
0xbd: {  	v2 =	vmul.f32 $1.442695020e+00, v2;
	_ =	sdelay $0x1  }
0xbe: {  	(erf) = vpow2.f32 v2;
	_ =	sdelay $0x2  }
0xbf: {  	v2 =	vld [tilespmem:s0+$0xFFFFFFF0]  }
0xc0: {  	v3 =	vld [tilespmem:s0+$0x30]  }
0xc1: {  	v4 =	vld [tilespmem:s0+$0x10]  }
0xc2: {  	v5 =	vld [tilespmem:s0+$0xFFFFFFD0]  }
0xc3: {  	v6 =	vld [tilespmem:s0+$0xFFFFFFC0]  }
0xc4: {  	v7 =	vld [tilespmem:s0+$0xFFFFFFE0]  }
0xc5: {  	v8 =	vld [tilespmem:s0+$0x0];
	v9 =	vpop (erf)  }
0xc6: {  	v10 =	vnsel vm0, $0x0, v9;
	v11 =	vperm.xlane v9, v0;
	v9 =	vperm.xlane v9, v1;
	v12 =	vld [tilespmem:s0+$0x20]  }
0xc7: {  	[tilespmem:s0+$0x40] =	vst v10  }
0xc8: {  	v6 =	vmul.f32 v6, v11;
	v5 =	vmul.f32 v5, v11  }
0xc9: {  	v2 =	vmul.f32 v2, v11;
	v7 =	vmul.f32 v7, v11  }
0xca: {  	v4 =	vmul.f32 v4, v9;
	[tilespmem:s0+$0xFFFFFFC0] =	vst v6;
	v6 =	vmul.f32 v8, v9  }
0xcb: {  	v3 =	vmul.f32 v3, v9;
	[tilespmem:s0+$0xFFFFFFD0] =	vst v5;
	v5 =	vmul.f32 v12, v9  }
0xcc: {  	[tilespmem:s0+$0xFFFFFFE0] =	vst v7  }
.Ltmp3:
0xcd: {  	[tilespmem:s0+$0xFFFFFFF0] =	vst v2;
	(pc) =	sbr.rel @p0 .LBB2_8-.Ltmp3, $4  }
0xce: {  	[tilespmem:s0+$0x0] =	vst v6  }
0xcf: {  	[tilespmem:s0+$0x10] =	vst v4  }
0xd0: {  	s0 =	sadd.s32 $0x90, s0;
	[tilespmem:s2+$0x20] =	vst v5  }
0xd1: {  	s10 =	sshra.s32 s8, $0x2;
	s8 =	sadd.s32 $0x40, s8;
	v2 =	vld [tilespmem:s0+$0x40];
	[tilespmem:s2+$0x30] =	vst v3;
	s2 =	smov.u32 s0  }
0xd2: {  	v3 =	vld [tilespmem:s10+$0x5B40];
	_ =	sdelay $0x4  }
0xd3: {  	v2 =	vadd.f32 v3, v2;
	_ =	sdelay $0x1  }
0xd4: {  	v3 =	vmul.f32 $2.000000030e-01, v2;
	_ =	sdelay $0x1  }
0xd5: {  	v2 =	vmax.f32 v2, v3  }
0xd6: {  	v2 =	vmul.f32 $1.442695020e+00, v2;
	_ =	sdelay $0x1  }
0xd7: {  	(erf) = vpow2.f32 v2;
	_ =	sdelay $0x6  }
0xd8: {  	v4 =	vld [tilespmem:s0+$0xFFFFFFC0]  }
0xd9: {  	v5 =	vld [tilespmem:s0+$0xFFFFFFD0]  }
0xda: {  	v6 =	vld [tilespmem:s0+$0xFFFFFFE0];
	v7 =	vpop (erf)  }
0xdb: {  	v2 =	vld [tilespmem:s0+$0xFFFFFFF0];
	v9 =	vperm.xlane v7, v0  }
0xdc: {  	v10 =	vld [tilespmem:s0+$0x0]  }
0xdd: {  	v8 =	vld [tilespmem:s0+$0x10];
	v11 =	vnsel vm0, $0x0, v7;
	v4 =	vmul.f32 v4, v9  }
0xde: {  	v3 =	vld [tilespmem:s0+$0x30];
	[tilespmem:s0+$0x40] =	vst v11;
	v5 =	vmul.f32 v5, v9  }
0xdf: {  	v12 =	vld [tilespmem:s0+$0x20];
	v7 =	vperm.xlane v7, v1;
	v6 =	vmul.f32 v6, v9;
	[tilespmem:s0+$0xFFFFFFC0] =	vst v4  }
0xe0: {  	v2 =	vmul.f32 v2, v9;
	[tilespmem:s0+$0xFFFFFFD0] =	vst v5  }
0xe1: {  	v62 =	vmul.f32 v10, v7;
	[tilespmem:s0+$0xFFFFFFE0] =	vst v6  }
0xe2: {  	v63 =	vmul.f32 v8, v7;
	[tilespmem:s0+$0xFFFFFFF0] =	vst v2  }
0xe3: {  	v3 =	vmul.f32 v3, v7;
	[tilespmem:s0+$0x0] =	vst v62  }
0xe4: {  	v2 =	vmul.f32 v12, v7;
	[tilespmem:s0+$0x10] =	vst v63  }
0xe5: {  	[tilespmem:s2+$0x30] =	vst v3  }
0xe6: {  	[tilespmem:s2+$0x20] =	vst v2  }
0xe7: {  	[spmem:s3] =	stream.indirect.scatter.add.f32 [tilespmem:s19], [sflag:$0x5], $0x90, s18, s18, $0xb8;
	[tilespmem:$0x1CD40] =	vst v63  }
0xe8: {  	_ =	swait.ge [sflag:s17], $0x2D00  }
0xe9: {  	s30 =	sadd.s32 $0x1, s30;
	[sflag:s17] =	ssyncset.done $0x0  }
0xea: {  	p0 =	sne.s32 s30, s15;
	[sflag:s17] =	ssyncadd.s32 $0xFFFFD300  }
.Ltmp4:
0xeb: {  	[bflag:$0x0] =	sbarrier.arrive $0xFFFF;
	(pc) =	sbr.rel @p0 .LBB2_1-.Ltmp4, $4  }
0xec: {  	[hbm:s14], [sflag:s9] =	dma.local [spmem:s16], $0x2D00  }
0xed: {  	_ =	swait.ge [sflag:s17], $0x2D00  }
0xee: {  	[sflag:s17] =	ssyncset.done $0x0  }
0xef: {  	[sflag:s17] =	ssyncadd.s32 $0xFFFFD300  }
0xf0: {  	_ =	sfence.sel $0x180000  }
0xf1: {  	[bflag:$0x0] =	sbarrier.arrive $0xFFFF  }
0xf2: {  	_ =	strace $0x90000047  }
0xf3: {  	s0 =	stileid.u32;
	[bflag:$0x2] =	sbarrier.arrive $0xFFFF  }
0xf4: {  	p0 =	sne.s32 s0, $0x0;
	s0 =	rddreg [dreg:$0x3]  }
0xf5: {  	s0 =	sadd.s32 @!p0 $0x100000, s0  }
0xf6: {  	[sflag:s0] =	ssyncadd.tile.s32 @!p0 $0x1;
	_ =	shalt  }
.Lfunc_end2:
_tile_overlayer_lowered:
.L_overlay_start_2:
0xf7: {  	(tag) =	ssettag $0x2  }
0xf8: {  	s0 =	rddreg [dreg:$0x0];
	s2 =	stileid.u32  }
0xf9: {  	s1 =	rddreg [dreg:$0x1];
	p0 =	sne.s32 s2, $0x0  }
0xfa: {  	s3 =	rddreg [dreg:$0x2];
	[bflag:$0x3] =	sbarrier.arrive $0xFFFF;
	s2 =	simm.s32 @!p0 $0x1C05  }
0xfb: {  	[timem:s3], [sflag:s2] =	dma.local @!p0 [hbm:s0], s1  }
0xfc: {  	s0 =	simm.s32 @!p0 $0x5  }
0xfd: {  	_ =	swait.ge @!p0 [sflag:s0], s1  }
0xfe: {  	s1 =	ssub.s32 @!p0 $0x0, s1;
	[sflag:s0] =	ssyncset.done @!p0 $0x0  }
0xff: {  	[sflag:s0] =	ssyncadd.s32 @!p0 s1  }
0x100: {  	[bflag:$0x3] =	sbarrier.arrive $0xFFFF  }
0x101: {  	_ =	shalt  }

</sc_bundles>
